<compile_context>
chip_gen: v7x
topology: tpu7x:2x2x1
jax: 0.10.2.dev20260603
libtpu: 0.0.44.dev20260713+nightly
codegen_flags: <defaults>
</compile_context>

<pallas_src>
import functools

import jax
import jax.numpy as jnp
from jax import lax
from jax.experimental import pallas as pl
from jax.experimental.pallas import tpu as pltpu, tpu_sc as plsc

N = 10000
E = 320000
D = 128
H = 64
OUT = 64
G = 64

NC, NS = 2, 16
NW = NC * NS
CW = 16
AW = H + CW

NSUB, SUBW = 1, 250
CHUNK = NSUB * SUBW
EPT = E // NW
NCHUNK = EPT // CHUNK
DEPTH = 3
FRT = N // NS

RT = 1000
NBLK = N // RT


def _edge_agg_body(w, *refs):
    if w == AW:
        (p_hbm, er, z, out_d, out_c, sidx, didx, rows, acc, gsem, ssem) = refs
    else:
        (p_hbm, er, z, out_d, sidx, didx, rows, acc, gsem, ssem) = refs
        out_c = None

    cid = lax.axis_index("c")
    sid = lax.axis_index("s")
    wid = sid * NC + cid

    fsl = pl.ds(sid * FRT, FRT)
    pltpu.sync_copy(er.at[0, wid], sidx)
    pltpu.sync_copy(er.at[1, wid], didx)

    def fire_gathers(s, b):
        for j in range(NSUB):
            pltpu.make_async_copy(p_hbm.at[sidx.at[s, j]], rows.at[b, j],
                                  gsem).start()

    def wait_gathers(b):
        for j in range(NSUB):
            pltpu.make_async_copy(p_hbm.at[sidx.at[0, j]], rows.at[b, j],
                                  gsem).wait()

    def fire_scatters(s, b):
        for j in range(NSUB):
            pltpu.make_async_copy(rows.at[b, j, :, pl.ds(0, w)],
                                  acc.at[didx.at[s, j]],
                                  ssem).start(add=True)

    def drain_scatters(s, b):
        for j in range(NSUB):
            pltpu.make_async_copy(rows.at[b, j, :, pl.ds(0, w)],
                                  acc.at[didx.at[s, j]],
                                  ssem).wait()

    for k in range(DEPTH - 1):
        fire_gathers(k, k)
    pltpu.sync_copy(z, acc.at[fsl])
    plsc.subcore_barrier()

    def chunk(s, carry):
        b = lax.rem(s, DEPTH)
        pf = s + DEPTH - 1

        @pl.when(pf < NCHUNK)
        def _():
            @pl.when(s >= 1)
            def _():
                drain_scatters(s - 1, lax.rem(s - 1, DEPTH))
            fire_gathers(pf, lax.rem(pf, DEPTH))

        wait_gathers(b)
        fire_scatters(s, b)
        return carry

    lax.fori_loop(0, NCHUNK, chunk, 0)
    for s in range(NCHUNK - DEPTH, NCHUNK):
        drain_scatters(s, s % DEPTH)
    plsc.subcore_barrier()

    if w == AW:
        pltpu.sync_copy(acc.at[fsl, pl.ds(0, H)],
                        out_d.at[fsl, pl.ds(cid * H, H)])
        pltpu.sync_copy(acc.at[fsl, pl.ds(H, CW)],
                        out_c.at[fsl, pl.ds(cid * CW, CW)])
    else:
        pltpu.sync_copy(acc.at[fsl], out_d.at[fsl, pl.ds(cid * H, H)])


def _make_edge_agg(w):
    mesh = plsc.VectorSubcoreMesh(core_axis_name="c", subcore_axis_name="s",
                                  num_cores=NC, num_subcores=NS)
    out_type = [jax.ShapeDtypeStruct((N, 2 * H), jnp.float32)]
    if w == AW:
        out_type.append(jax.ShapeDtypeStruct((N, 2 * H), jnp.float32))
    return pl.kernel(
        functools.partial(_edge_agg_body, w),
        out_type=out_type,
        mesh=mesh,
        scratch_types=[
            pltpu.VMEM((NCHUNK, NSUB, SUBW), jnp.int32),
            pltpu.VMEM((NCHUNK, NSUB, SUBW), jnp.int32),
            pltpu.VMEM((DEPTH, NSUB, SUBW, w), jnp.float32),
            pltpu.VMEM_SHARED((N, w), jnp.float32),
            pltpu.SemaphoreType.DMA,
            pltpu.SemaphoreType.DMA,
        ],
        compiler_params=pltpu.CompilerParams(use_tc_tiling_on_sc=False),
        name=f"edge_agg_w{w}",
    )


def _pre_p_body(x_ref, w1l_ref, p1_ref):
    dn = (((1,), (1,)), ((), ()))
    p1 = lax.dot_general(x_ref[...], w1l_ref[...], dn,
                         preferred_element_type=jnp.float32)
    p1_ref[...] = jnp.concatenate([p1, jnp.ones((RT, CW), jnp.float32)],
                                  axis=1)


def _pre_r_body(x_ref, w1r_ref, b1_ref, r1_ref):
    dn = (((1,), (1,)), ((), ()))
    r1_ref[...] = lax.dot_general(x_ref[...], w1r_ref[...], dn,
                                  preferred_element_type=jnp.float32) + b1_ref[0:1, :]


def _mid_body(d_ref, c_ref, r1_ref, w2l_ref, w2r_ref, b2_ref,
              p2_ref, q2_ref):
    d = d_ref[...]
    c = c_ref[...]
    inv = 1.0 / jnp.maximum(c[:, 0:1] + c[:, CW:CW + 1], 1.0)
    h = jnp.maximum((d[:, :H] + d[:, H:]) * inv + r1_ref[...], 0.0)
    dn = (((1,), (1,)), ((), ()))
    p2_ref[...] = lax.dot_general(h, w2l_ref[...], dn,
                                  preferred_element_type=jnp.float32)
    q2 = lax.dot_general(h, w2r_ref[...], dn,
                         preferred_element_type=jnp.float32) + b2_ref[0:1, :]
    q2_ref[...] = jnp.concatenate([q2, jnp.broadcast_to(inv, (RT, CW))],
                                  axis=1)


def _pool_body(d_ref, q2_ref, b_ref, out_ref):
    i = pl.program_id(0)
    d = d_ref[...]
    q2a = q2_ref[...]
    h2 = (d[:, :H] + d[:, H:]) * q2a[:, H:H + 1] + q2a[:, :H]
    bidx = b_ref[0, 0, :]
    onehot = (bidx[:, None] == lax.broadcasted_iota(jnp.int32, (1, G), 1)
              ).astype(jnp.float32)
    h2a = jnp.concatenate([h2, jnp.ones((RT, 64), jnp.float32)], axis=1)
    contrib = lax.dot_general(onehot, h2a, (((0,), (0,)), ((), ())),
                              preferred_element_type=jnp.float32)

    @pl.when(i == 0)
    def _():
        out_ref[...] = contrib

    @pl.when(i > 0)
    def _():
        out_ref[...] += contrib

    @pl.when(i == NBLK - 1)
    def _():
        o = out_ref[...]
        out_ref[...] = o / jnp.maximum(o[:, 64:65], 1.0)


_full = lambda i: (0, 0)


def kernel(x, edge_index, batch_index, W1l, W1r, b1, W2l, W2r, b2):
    f32 = jnp.float32
    er = edge_index.reshape(2, NW, NCHUNK, NSUB, SUBW)
    bidx = batch_index.reshape(NBLK, 1, RT)
    z80 = jnp.zeros((FRT, AW), f32)
    z64 = jnp.zeros((FRT, H), f32)
    b1t = jnp.broadcast_to(b1, (8, H))
    b2t = jnp.broadcast_to(b2, (8, OUT))

    p1 = pl.pallas_call(
        _pre_p_body,
        grid=(NBLK,),
        in_specs=[
            pl.BlockSpec((RT, D), lambda i: (i, 0)),
            pl.BlockSpec((H, D), _full),
        ],
        out_specs=pl.BlockSpec((RT, AW), lambda i: (i, 0)),
        out_shape=jax.ShapeDtypeStruct((N, AW), f32),
    )(x, W1l)
    r1 = pl.pallas_call(
        _pre_r_body,
        grid=(NBLK,),
        in_specs=[
            pl.BlockSpec((RT, D), lambda i: (i, 0)),
            pl.BlockSpec((H, D), _full),
            pl.BlockSpec((8, H), _full),
        ],
        out_specs=pl.BlockSpec((RT, H), lambda i: (i, 0)),
        out_shape=jax.ShapeDtypeStruct((N, H), f32),
    )(x, W1r, b1t)

    d1, c1 = _make_edge_agg(AW)(p1, er, z80)

    row128 = pl.BlockSpec((RT, 2 * H), lambda i: (i, 0))
    p2, q2 = pl.pallas_call(
        _mid_body,
        grid=(NBLK,),
        in_specs=[
            row128, row128,
            pl.BlockSpec((RT, H), lambda i: (i, 0)),
            pl.BlockSpec((OUT, H), _full),
            pl.BlockSpec((OUT, H), _full),
            pl.BlockSpec((8, OUT), _full),
        ],
        out_specs=[pl.BlockSpec((RT, OUT), lambda i: (i, 0)),
                   pl.BlockSpec((RT, AW), lambda i: (i, 0))],
        out_shape=[jax.ShapeDtypeStruct((N, OUT), f32),
                   jax.ShapeDtypeStruct((N, AW), f32)],
    )(d1, c1, r1, W2l, W2r, b2t)

    d2, = _make_edge_agg(H)(p2, er, z64)

    pooled = pl.pallas_call(
        _pool_body,
        grid=(NBLK,),
        in_specs=[
            row128,
            pl.BlockSpec((RT, AW), lambda i: (i, 0)),
            pl.BlockSpec((1, 1, RT), lambda i: (i, 0, 0)),
        ],
        out_specs=pl.BlockSpec((G, 128), _full),
        out_shape=jax.ShapeDtypeStruct((G, 128), f32),
    )(d2, q2, bidx)

    return pooled[:, :OUT]

# --- scband reference (transcript-rebuilt; emitter-appended) ---
"""Pipeline reference for scband-embedder-11458972746403 (READ-ONLY COPY).

The authoritative reference and input builder live on the scoring server;
editing this copy changes nothing except your own understanding.
"""

import jax, jax.numpy as jnp
import numpy as np

N = 10000
E = 320000
D = 128
H = 64
OUT = 64
G = 64


def setup_inputs(seed: int = 0) -> dict:
    key = jax.random.key(seed)
    ks = jax.random.split(key, 10)
    x = jax.random.normal(ks[0], (N, D), dtype=jnp.float32)
    edge_index = jax.random.randint(ks[1], (2, E), 0, N, dtype=jnp.int32)
    batch_index = jnp.sort(jax.random.randint(ks[2], (N,), 0, G, dtype=jnp.int32))
    # SAGEConv params: lin_l (neighbor/aggregated, has bias), lin_r (root, no bias)
    W1l = jax.random.normal(ks[3], (H, D), dtype=jnp.float32) * (1.0 / np.sqrt(D))
    W1r = jax.random.normal(ks[4], (H, D), dtype=jnp.float32) * (1.0 / np.sqrt(D))
    b1 = jnp.zeros((H,), dtype=jnp.float32)
    W2l = jax.random.normal(ks[5], (OUT, H), dtype=jnp.float32) * (1.0 / np.sqrt(H))
    W2r = jax.random.normal(ks[6], (OUT, H), dtype=jnp.float32) * (1.0 / np.sqrt(H))
    b2 = jnp.zeros((OUT,), dtype=jnp.float32)
    return {"x": x, "edge_index": edge_index, "batch_index": batch_index,
            "W1l": W1l, "W1r": W1r, "b1": b1, "W2l": W2l, "W2r": W2r, "b2": b2}


def _sage_conv(h, edge_index, Wl, Wr, b):
    # PyG SAGEConv with mean aggregation: out = lin_l(mean_j(x_j)) + lin_r(x_i)
    src = edge_index[0]
    dst = edge_index[1]
    msgs = h[src]
    agg = jax.ops.segment_sum(msgs, dst, num_segments=N)
    cnt = jax.ops.segment_sum(jnp.ones((E, 1), dtype=h.dtype), dst, num_segments=N)
    mean = agg / jnp.clip(cnt, 1.0)
    return mean @ Wl.T + b + h @ Wr.T


def reference(x, edge_index, batch_index, W1l, W1r, b1, W2l, W2r, b2):
    # layers == 2 branch
    h = _sage_conv(x, edge_index, W1l, W1r, b1)
    h = jax.nn.relu(h)
    h = _sage_conv(h, edge_index, W2l, W2r, b2)
    # dropout p=0.5 in eval mode -> identity
    # global mean pool over batch_index
    sums = jax.ops.segment_sum(h, batch_index, num_segments=G)
    cnts = jax.ops.segment_sum(jnp.ones((N, 1), dtype=h.dtype), batch_index, num_segments=G)
    return sums / jnp.clip(cnts, 1.0)

if __name__ == "__main__":
    import jax
    _d = setup_inputs()
    print(jax.jit(kernel)(*tuple(_d.values())))

</pallas_src>

<mosaic_0001>
#map = affine_map<(d0, d1) -> (0, 0)>
#map1 = affine_map<(d0, d1) -> (0, 0, 0, 0, 0)>
module attributes {stable_mosaic.version = 14 : i64} {
  func.func @edge_agg_w80(%arg0: i32, %arg1: i32, %arg2: memref<10000x80xf32, #tpu.memory_space<hbm>>, %arg3: memref<2x32x40x1x250xi32, #tpu.memory_space<hbm>>, %arg4: memref<625x80xf32, #tpu.memory_space<hbm>>, %arg5: memref<10000x128xf32, #tpu.memory_space<hbm>>, %arg6: memref<10000x128xf32, #tpu.memory_space<hbm>>, %arg7: memref<40x1x250xi32, #tpu.memory_space<vmem>>, %arg8: memref<40x1x250xi32, #tpu.memory_space<vmem>>, %arg9: memref<3x1x250x80xf32, #tpu.memory_space<vmem>>, %arg10: memref<10000x80xf32, #tpu.memory_space<vmem_shared>>, %arg11: memref<!tpu.dma_semaphore, #tpu.memory_space<semaphore_mem>>, %arg12: memref<!tpu.dma_semaphore, #tpu.memory_space<semaphore_mem>>) attributes {dimension_semantics = [#tpu.dimension_semantics<core_parallel>, #tpu.dimension_semantics<subcore_parallel>], iteration_bounds = array<i64: 2, 16>, scalar_prefetch = 0 : i64, scratch_operands = 6 : i64, tpu.core_type = #tpu.core_type<sc_vector_subcore>, window_params = [{transform_indices = #map}, {transform_indices = #map1}, {transform_indices = #map}, {transform_indices = #map}, {transform_indices = #map}]} {
    %mul3A = arith.constant 2 : i32
    %mul3A_0 = arith.muli %arg1, %mul3A : i32
    %add3A = arith.addi %mul3A_0, %arg0 : i32
    %mul3A_1 = arith.constant 625 : i32
    %mul3A_2 = arith.muli %arg1, %mul3A_1 : i32
    %run_scoped3A = arith.constant 0 : i32
    "tpu.region"() ({
      %run_scoped3A_82 = tpu.sem_alloc : memref<!tpu.dma_semaphore, #tpu.memory_space<semaphore_mem>>
      %dma_start3A_83 = arith.constant 0 : i32
      %dma_start3A_84 = arith.constant 0 : i32
      %dma_start3A_85 = arith.constant 0 : i32
      %dma_start3A_86 = tpu.memref_slice %arg3[%run_scoped3A, %add3A, %dma_start3A_83, %dma_start3A_84, %dma_start3A_85] : memref<2x32x40x1x250xi32, #tpu.memory_space<hbm>> -> memref<1x1x40x1x250xi32, #tpu.memory_space<hbm>>
      %dma_start3A_87 = tpu.memref_squeeze %dma_start3A_86 : memref<1x1x40x1x250xi32, #tpu.memory_space<hbm>> -> memref<40x1x250xi32, #tpu.memory_space<hbm>>
      %dma_start3A_88 = arith.constant 0 : i32
      %dma_start3A_89 = arith.constant 0 : i32
      %dma_start3A_90 = arith.constant 0 : i32
      %dma_start3A_91 = tpu.memref_slice %arg3[%run_scoped3A, %add3A, %dma_start3A_88, %dma_start3A_89, %dma_start3A_90] : memref<2x32x40x1x250xi32, #tpu.memory_space<hbm>> -> memref<1x1x40x1x250xi32, #tpu.memory_space<hbm>>
      %dma_start3A_92 = tpu.memref_squeeze %dma_start3A_91 : memref<1x1x40x1x250xi32, #tpu.memory_space<hbm>> -> memref<40x1x250xi32, #tpu.memory_space<hbm>>
      tpu.enqueue_dma source(%dma_start3A_92 : memref<40x1x250xi32, #tpu.memory_space<hbm>>) target(%arg7 : memref<40x1x250xi32, #tpu.memory_space<vmem>>) target_semaphore(%run_scoped3A_82 : memref<!tpu.dma_semaphore, #tpu.memory_space<semaphore_mem>>)
      %dma_wait3A_93 = arith.constant 0 : i32
      %dma_wait3A_94 = arith.constant 0 : i32
      %dma_wait3A_95 = arith.constant 0 : i32
      %dma_wait3A_96 = tpu.memref_slice %arg3[%run_scoped3A, %add3A, %dma_wait3A_93, %dma_wait3A_94, %dma_wait3A_95] : memref<2x32x40x1x250xi32, #tpu.memory_space<hbm>> -> memref<1x1x40x1x250xi32, #tpu.memory_space<hbm>>
      %dma_wait3A_97 = tpu.memref_squeeze %dma_wait3A_96 : memref<1x1x40x1x250xi32, #tpu.memory_space<hbm>> -> memref<40x1x250xi32, #tpu.memory_space<hbm>>
      %dma_wait3A_98 = arith.constant 0 : i32
      %dma_wait3A_99 = arith.constant 0 : i32
      %dma_wait3A_100 = arith.constant 0 : i32
      %dma_wait3A_101 = tpu.memref_slice %arg3[%run_scoped3A, %add3A, %dma_wait3A_98, %dma_wait3A_99, %dma_wait3A_100] : memref<2x32x40x1x250xi32, #tpu.memory_space<hbm>> -> memref<1x1x40x1x250xi32, #tpu.memory_space<hbm>>
      %dma_wait3A_102 = tpu.memref_squeeze %dma_wait3A_101 : memref<1x1x40x1x250xi32, #tpu.memory_space<hbm>> -> memref<40x1x250xi32, #tpu.memory_space<hbm>>
      tpu.wait_dma2 semaphore(%run_scoped3A_82 : memref<!tpu.dma_semaphore, #tpu.memory_space<semaphore_mem>>) src(%dma_wait3A_102 : memref<40x1x250xi32, #tpu.memory_space<hbm>>) dst(%arg7 : memref<40x1x250xi32, #tpu.memory_space<vmem>>)
      tpu.yield
    }) : () -> ()
    %run_scoped3A_3 = arith.constant 1 : i32
    "tpu.region"() ({
      %run_scoped3A_82 = tpu.sem_alloc : memref<!tpu.dma_semaphore, #tpu.memory_space<semaphore_mem>>
      %dma_start3A_83 = arith.constant 0 : i32
      %dma_start3A_84 = arith.constant 0 : i32
      %dma_start3A_85 = arith.constant 0 : i32
      %dma_start3A_86 = tpu.memref_slice %arg3[%run_scoped3A_3, %add3A, %dma_start3A_83, %dma_start3A_84, %dma_start3A_85] : memref<2x32x40x1x250xi32, #tpu.memory_space<hbm>> -> memref<1x1x40x1x250xi32, #tpu.memory_space<hbm>>
      %dma_start3A_87 = tpu.memref_squeeze %dma_start3A_86 : memref<1x1x40x1x250xi32, #tpu.memory_space<hbm>> -> memref<40x1x250xi32, #tpu.memory_space<hbm>>
      %dma_start3A_88 = arith.constant 0 : i32
      %dma_start3A_89 = arith.constant 0 : i32
      %dma_start3A_90 = arith.constant 0 : i32
      %dma_start3A_91 = tpu.memref_slice %arg3[%run_scoped3A_3, %add3A, %dma_start3A_88, %dma_start3A_89, %dma_start3A_90] : memref<2x32x40x1x250xi32, #tpu.memory_space<hbm>> -> memref<1x1x40x1x250xi32, #tpu.memory_space<hbm>>
      %dma_start3A_92 = tpu.memref_squeeze %dma_start3A_91 : memref<1x1x40x1x250xi32, #tpu.memory_space<hbm>> -> memref<40x1x250xi32, #tpu.memory_space<hbm>>
      tpu.enqueue_dma source(%dma_start3A_92 : memref<40x1x250xi32, #tpu.memory_space<hbm>>) target(%arg8 : memref<40x1x250xi32, #tpu.memory_space<vmem>>) target_semaphore(%run_scoped3A_82 : memref<!tpu.dma_semaphore, #tpu.memory_space<semaphore_mem>>)
      %dma_wait3A_93 = arith.constant 0 : i32
      %dma_wait3A_94 = arith.constant 0 : i32
      %dma_wait3A_95 = arith.constant 0 : i32
      %dma_wait3A_96 = tpu.memref_slice %arg3[%run_scoped3A_3, %add3A, %dma_wait3A_93, %dma_wait3A_94, %dma_wait3A_95] : memref<2x32x40x1x250xi32, #tpu.memory_space<hbm>> -> memref<1x1x40x1x250xi32, #tpu.memory_space<hbm>>
      %dma_wait3A_97 = tpu.memref_squeeze %dma_wait3A_96 : memref<1x1x40x1x250xi32, #tpu.memory_space<hbm>> -> memref<40x1x250xi32, #tpu.memory_space<hbm>>
      %dma_wait3A_98 = arith.constant 0 : i32
      %dma_wait3A_99 = arith.constant 0 : i32
      %dma_wait3A_100 = arith.constant 0 : i32
      %dma_wait3A_101 = tpu.memref_slice %arg3[%run_scoped3A_3, %add3A, %dma_wait3A_98, %dma_wait3A_99, %dma_wait3A_100] : memref<2x32x40x1x250xi32, #tpu.memory_space<hbm>> -> memref<1x1x40x1x250xi32, #tpu.memory_space<hbm>>
      %dma_wait3A_102 = tpu.memref_squeeze %dma_wait3A_101 : memref<1x1x40x1x250xi32, #tpu.memory_space<hbm>> -> memref<40x1x250xi32, #tpu.memory_space<hbm>>
      tpu.wait_dma2 semaphore(%run_scoped3A_82 : memref<!tpu.dma_semaphore, #tpu.memory_space<semaphore_mem>>) src(%dma_wait3A_102 : memref<40x1x250xi32, #tpu.memory_space<hbm>>) dst(%arg8 : memref<40x1x250xi32, #tpu.memory_space<vmem>>)
      tpu.yield
    }) : () -> ()
    %dma_start3A = arith.constant 0 : i32
    %dma_start3A_4 = arith.constant 0 : i32
    %dma_start3A_5 = arith.constant 0 : i32
    %dma_start3A_6 = arith.constant 0 : i32
    %dma_start3A_7 = arith.constant 0 : i32
    %dma_start3A_8 = arith.constant 0 : i32
    %dma_start3A_9 = tpu.memref_slice %arg9[%dma_start3A_5, %dma_start3A_6, %dma_start3A_7, %dma_start3A_8] : memref<3x1x250x80xf32, #tpu.memory_space<vmem>> -> memref<1x1x250x80xf32, #tpu.memory_space<vmem>>
    %dma_start3A_10 = tpu.memref_squeeze %dma_start3A_9 : memref<1x1x250x80xf32, #tpu.memory_space<vmem>> -> memref<250x80xf32, #tpu.memory_space<vmem>>
    %dma_start3A_11 = arith.constant 0 : i32
    %dma_start3A_12 = tpu.memref_slice %arg7[%dma_start3A, %dma_start3A_4, %dma_start3A_11] : memref<40x1x250xi32, #tpu.memory_space<vmem>> -> memref<1x1x250xi32, #tpu.memory_space<vmem>>
    %dma_start3A_13 = tpu.memref_squeeze %dma_start3A_12 : memref<1x1x250xi32, #tpu.memory_space<vmem>> -> memref<250xi32, #tpu.memory_space<vmem>>
    %dma_start3A_14 = arith.constant 0 : i32
    %dma_start3A_15 = arith.constant 0 : i32
    %dma_start3A_16 = tpu.memref_slice %arg2[%dma_start3A_14, %dma_start3A_15] : memref<10000x80xf32, #tpu.memory_space<hbm>> -> memref<10000x80xf32, #tpu.memory_space<hbm>>
    tpu.enqueue_indirect_dma source(%dma_start3A_16 : memref<10000x80xf32, #tpu.memory_space<hbm>>) target(%dma_start3A_10 : memref<250x80xf32, #tpu.memory_space<vmem>>) offsets(%dma_start3A_13 : memref<250xi32, #tpu.memory_space<vmem>>) semaphore(%arg11 : memref<!tpu.dma_semaphore, #tpu.memory_space<semaphore_mem>>)
    %dma_start3A_17 = arith.constant 1 : i32
    %dma_start3A_18 = arith.constant 0 : i32
    %dma_start3A_19 = arith.constant 1 : i32
    %dma_start3A_20 = arith.constant 0 : i32
    %dma_start3A_21 = arith.constant 0 : i32
    %dma_start3A_22 = arith.constant 0 : i32
    %dma_start3A_23 = tpu.memref_slice %arg9[%dma_start3A_19, %dma_start3A_20, %dma_start3A_21, %dma_start3A_22] : memref<3x1x250x80xf32, #tpu.memory_space<vmem>> -> memref<1x1x250x80xf32, #tpu.memory_space<vmem>>
    %dma_start3A_24 = tpu.memref_squeeze %dma_start3A_23 : memref<1x1x250x80xf32, #tpu.memory_space<vmem>> -> memref<250x80xf32, #tpu.memory_space<vmem>>
    %dma_start3A_25 = arith.constant 0 : i32
    %dma_start3A_26 = tpu.memref_slice %arg7[%dma_start3A_17, %dma_start3A_18, %dma_start3A_25] : memref<40x1x250xi32, #tpu.memory_space<vmem>> -> memref<1x1x250xi32, #tpu.memory_space<vmem>>
    %dma_start3A_27 = tpu.memref_squeeze %dma_start3A_26 : memref<1x1x250xi32, #tpu.memory_space<vmem>> -> memref<250xi32, #tpu.memory_space<vmem>>
    %dma_start3A_28 = arith.constant 0 : i32
    %dma_start3A_29 = arith.constant 0 : i32
    %dma_start3A_30 = tpu.memref_slice %arg2[%dma_start3A_28, %dma_start3A_29] : memref<10000x80xf32, #tpu.memory_space<hbm>> -> memref<10000x80xf32, #tpu.memory_space<hbm>>
    tpu.enqueue_indirect_dma source(%dma_start3A_30 : memref<10000x80xf32, #tpu.memory_space<hbm>>) target(%dma_start3A_24 : memref<250x80xf32, #tpu.memory_space<vmem>>) offsets(%dma_start3A_27 : memref<250xi32, #tpu.memory_space<vmem>>) semaphore(%arg11 : memref<!tpu.dma_semaphore, #tpu.memory_space<semaphore_mem>>)
    "tpu.region"() ({
      %run_scoped3A_82 = tpu.sem_alloc : memref<!tpu.dma_semaphore, #tpu.memory_space<semaphore_mem>>
      %dma_start3A_83 = arith.constant 0 : i32
      %dma_start3A_84 = tpu.memref_slice %arg10[%mul3A_2, %dma_start3A_83] : memref<10000x80xf32, #tpu.memory_space<vmem_shared>> -> memref<625x80xf32, #tpu.memory_space<vmem_shared>>
      tpu.enqueue_dma source(%arg4 : memref<625x80xf32, #tpu.memory_space<hbm>>) target(%dma_start3A_84 : memref<625x80xf32, #tpu.memory_space<vmem_shared>>) target_semaphore(%run_scoped3A_82 : memref<!tpu.dma_semaphore, #tpu.memory_space<semaphore_mem>>)
      %dma_wait3A_85 = arith.constant 0 : i32
      %dma_wait3A_86 = tpu.memref_slice %arg10[%mul3A_2, %dma_wait3A_85] : memref<10000x80xf32, #tpu.memory_space<vmem_shared>> -> memref<625x80xf32, #tpu.memory_space<vmem_shared>>
      tpu.wait_dma2 semaphore(%run_scoped3A_82 : memref<!tpu.dma_semaphore, #tpu.memory_space<semaphore_mem>>) src(%arg4 : memref<625x80xf32, #tpu.memory_space<hbm>>) dst(%dma_wait3A_86 : memref<625x80xf32, #tpu.memory_space<vmem_shared>>)
      tpu.yield
    }) : () -> ()
    %barrier3A = arith.constant 0 : index
    tpu.barrier barrier_id(%barrier3A)
    %scan3A = arith.constant 0 : i32
    %scan3A_31 = arith.constant 0 : i32
    %scan3A_32 = arith.constant 40 : i32
    %scan3A_33 = arith.addi %scan3A_31, %scan3A_32 : i32
    %scan3A_34 = arith.constant 1 : i32
    scf.for %scan3A_82 = %scan3A_31 to %scan3A_33 step %scan3A_34  : i32 {
      %rem3A = arith.constant 3 : i32
      %rem3A_83 = arith.remsi %scan3A_82, %rem3A : i32
      %add3A_84 = arith.constant 3 : i32
      %add3A_85 = arith.addi %scan3A_82, %add3A_84 : i32
      %sub3A = arith.constant 1 : i32
      %sub3A_86 = arith.subi %add3A_85, %sub3A : i32
      %lt3A = arith.constant 40 : i32
      %lt3A_87 = arith.cmpi slt, %sub3A_86, %lt3A : i32
      %convert_element_type3A = arith.extui %lt3A_87 : i1 to i32
      %cond3A = arith.constant 0 : i32
      %cond3A_88 = arith.cmpi ne, %convert_element_type3A, %cond3A : i32
      scf.if %cond3A_88 {
        %ge3A = arith.constant 1 : i32
        %ge3A_114 = arith.cmpi sge, %scan3A_82, %ge3A : i32
        %convert_element_type3A_115 = arith.extui %ge3A_114 : i1 to i32
        %cond3A_116 = arith.constant 0 : i32
        %cond3A_117 = arith.cmpi ne, %convert_element_type3A_115, %cond3A_116 : i32
        scf.if %cond3A_117 {
          %sub3A_132 = arith.constant 1 : i32
          %sub3A_133 = arith.subi %scan3A_82, %sub3A_132 : i32
          %sub3A_134 = arith.constant 1 : i32
          %sub3A_135 = arith.subi %scan3A_82, %sub3A_134 : i32
          %rem3A_136 = arith.constant 3 : i32
          %rem3A_137 = arith.remsi %sub3A_135, %rem3A_136 : i32
          %dma_wait3A_138 = arith.constant 0 : i32
          %dma_wait3A_139 = arith.constant 0 : i32
          %dma_wait3A_140 = arith.constant 0 : i32
          %dma_wait3A_141 = arith.constant 0 : i32
          %dma_wait3A_142 = tpu.memref_slice %arg9[%rem3A_137, %dma_wait3A_138, %dma_wait3A_140, %dma_wait3A_141] : memref<3x1x250x80xf32, #tpu.memory_space<vmem>> -> memref<1x1x250x80xf32, #tpu.memory_space<vmem>>
          %dma_wait3A_143 = tpu.memref_squeeze %dma_wait3A_142 : memref<1x1x250x80xf32, #tpu.memory_space<vmem>> -> memref<250x80xf32, #tpu.memory_space<vmem>>
          %dma_wait3A_144 = arith.constant 0 : i32
          %dma_wait3A_145 = tpu.memref_slice %arg8[%sub3A_133, %dma_wait3A_139, %dma_wait3A_144] : memref<40x1x250xi32, #tpu.memory_space<vmem>> -> memref<1x1x250xi32, #tpu.memory_space<vmem>>
          %dma_wait3A_146 = tpu.memref_squeeze %dma_wait3A_145 : memref<1x1x250xi32, #tpu.memory_space<vmem>> -> memref<250xi32, #tpu.memory_space<vmem>>
          %dma_wait3A_147 = arith.constant 0 : i32
          %dma_wait3A_148 = arith.constant 0 : i32
          %dma_wait3A_149 = tpu.memref_slice %arg10[%dma_wait3A_147, %dma_wait3A_148] : memref<10000x80xf32, #tpu.memory_space<vmem_shared>> -> memref<10000x80xf32, #tpu.memory_space<vmem_shared>>
          tpu.wait_indirect_dma semaphore(%arg12 : memref<!tpu.dma_semaphore, #tpu.memory_space<semaphore_mem>>) src(%dma_wait3A_143 : memref<250x80xf32, #tpu.memory_space<vmem>>) dst(%dma_wait3A_149 : memref<10000x80xf32, #tpu.memory_space<vmem_shared>>)
        } else {
        }
        %rem3A_118 = arith.constant 3 : i32
        %rem3A_119 = arith.remsi %sub3A_86, %rem3A_118 : i32
        %dma_start3A_120 = arith.constant 0 : i32
        %dma_start3A_121 = arith.constant 0 : i32
        %dma_start3A_122 = arith.constant 0 : i32
        %dma_start3A_123 = arith.constant 0 : i32
        %dma_start3A_124 = tpu.memref_slice %arg9[%rem3A_119, %dma_start3A_121, %dma_start3A_122, %dma_start3A_123] : memref<3x1x250x80xf32, #tpu.memory_space<vmem>> -> memref<1x1x250x80xf32, #tpu.memory_space<vmem>>
        %dma_start3A_125 = tpu.memref_squeeze %dma_start3A_124 : memref<1x1x250x80xf32, #tpu.memory_space<vmem>> -> memref<250x80xf32, #tpu.memory_space<vmem>>
        %dma_start3A_126 = arith.constant 0 : i32
        %dma_start3A_127 = tpu.memref_slice %arg7[%sub3A_86, %dma_start3A_120, %dma_start3A_126] : memref<40x1x250xi32, #tpu.memory_space<vmem>> -> memref<1x1x250xi32, #tpu.memory_space<vmem>>
        %dma_start3A_128 = tpu.memref_squeeze %dma_start3A_127 : memref<1x1x250xi32, #tpu.memory_space<vmem>> -> memref<250xi32, #tpu.memory_space<vmem>>
        %dma_start3A_129 = arith.constant 0 : i32
        %dma_start3A_130 = arith.constant 0 : i32
        %dma_start3A_131 = tpu.memref_slice %arg2[%dma_start3A_129, %dma_start3A_130] : memref<10000x80xf32, #tpu.memory_space<hbm>> -> memref<10000x80xf32, #tpu.memory_space<hbm>>
        tpu.enqueue_indirect_dma source(%dma_start3A_131 : memref<10000x80xf32, #tpu.memory_space<hbm>>) target(%dma_start3A_125 : memref<250x80xf32, #tpu.memory_space<vmem>>) offsets(%dma_start3A_128 : memref<250xi32, #tpu.memory_space<vmem>>) semaphore(%arg11 : memref<!tpu.dma_semaphore, #tpu.memory_space<semaphore_mem>>)
      } else {
      }
      %dma_wait3A_89 = arith.constant 0 : i32
      %dma_wait3A_90 = arith.constant 0 : i32
      %dma_wait3A_91 = arith.constant 0 : i32
      %dma_wait3A_92 = arith.constant 0 : i32
      %dma_wait3A_93 = arith.constant 0 : i32
      %dma_wait3A_94 = tpu.memref_slice %arg9[%rem3A_83, %dma_wait3A_91, %dma_wait3A_92, %dma_wait3A_93] : memref<3x1x250x80xf32, #tpu.memory_space<vmem>> -> memref<1x1x250x80xf32, #tpu.memory_space<vmem>>
      %dma_wait3A_95 = tpu.memref_squeeze %dma_wait3A_94 : memref<1x1x250x80xf32, #tpu.memory_space<vmem>> -> memref<250x80xf32, #tpu.memory_space<vmem>>
      %dma_wait3A_96 = arith.constant 0 : i32
      %dma_wait3A_97 = tpu.memref_slice %arg7[%dma_wait3A_89, %dma_wait3A_90, %dma_wait3A_96] : memref<40x1x250xi32, #tpu.memory_space<vmem>> -> memref<1x1x250xi32, #tpu.memory_space<vmem>>
      %dma_wait3A_98 = tpu.memref_squeeze %dma_wait3A_97 : memref<1x1x250xi32, #tpu.memory_space<vmem>> -> memref<250xi32, #tpu.memory_space<vmem>>
      %dma_wait3A_99 = arith.constant 0 : i32
      %dma_wait3A_100 = arith.constant 0 : i32
      %dma_wait3A_101 = tpu.memref_slice %arg2[%dma_wait3A_99, %dma_wait3A_100] : memref<10000x80xf32, #tpu.memory_space<hbm>> -> memref<10000x80xf32, #tpu.memory_space<hbm>>
      tpu.wait_indirect_dma semaphore(%arg11 : memref<!tpu.dma_semaphore, #tpu.memory_space<semaphore_mem>>) src(%dma_wait3A_101 : memref<10000x80xf32, #tpu.memory_space<hbm>>) dst(%dma_wait3A_95 : memref<250x80xf32, #tpu.memory_space<vmem>>)
      %dma_start3A_102 = arith.constant 0 : i32
      %dma_start3A_103 = arith.constant 0 : i32
      %dma_start3A_104 = arith.constant 0 : i32
      %dma_start3A_105 = arith.constant 0 : i32
      %dma_start3A_106 = tpu.memref_slice %arg9[%rem3A_83, %dma_start3A_102, %dma_start3A_104, %dma_start3A_105] : memref<3x1x250x80xf32, #tpu.memory_space<vmem>> -> memref<1x1x250x80xf32, #tpu.memory_space<vmem>>
      %dma_start3A_107 = tpu.memref_squeeze %dma_start3A_106 : memref<1x1x250x80xf32, #tpu.memory_space<vmem>> -> memref<250x80xf32, #tpu.memory_space<vmem>>
      %dma_start3A_108 = arith.constant 0 : i32
      %dma_start3A_109 = tpu.memref_slice %arg8[%scan3A_82, %dma_start3A_103, %dma_start3A_108] : memref<40x1x250xi32, #tpu.memory_space<vmem>> -> memref<1x1x250xi32, #tpu.memory_space<vmem>>
      %dma_start3A_110 = tpu.memref_squeeze %dma_start3A_109 : memref<1x1x250xi32, #tpu.memory_space<vmem>> -> memref<250xi32, #tpu.memory_space<vmem>>
      %dma_start3A_111 = arith.constant 0 : i32
      %dma_start3A_112 = arith.constant 0 : i32
      %dma_start3A_113 = tpu.memref_slice %arg10[%dma_start3A_111, %dma_start3A_112] : memref<10000x80xf32, #tpu.memory_space<vmem_shared>> -> memref<10000x80xf32, #tpu.memory_space<vmem_shared>>
      tpu.enqueue_indirect_dma source(%dma_start3A_107 : memref<250x80xf32, #tpu.memory_space<vmem>>) target(%dma_start3A_113 : memref<10000x80xf32, #tpu.memory_space<vmem_shared>>) offsets(%dma_start3A_110 : memref<250xi32, #tpu.memory_space<vmem>>) semaphore(%arg12 : memref<!tpu.dma_semaphore, #tpu.memory_space<semaphore_mem>>) {add = true}
    }
    %scan3A_35 = arith.constant 40 : i32
    %dma_wait3A = arith.constant 1 : i32
    %dma_wait3A_36 = arith.constant 0 : i32
    %dma_wait3A_37 = arith.constant 37 : i32
    %dma_wait3A_38 = arith.constant 0 : i32
    %dma_wait3A_39 = arith.constant 0 : i32
    %dma_wait3A_40 = arith.constant 0 : i32
    %dma_wait3A_41 = tpu.memref_slice %arg9[%dma_wait3A, %dma_wait3A_36, %dma_wait3A_39, %dma_wait3A_40] : memref<3x1x250x80xf32, #tpu.memory_space<vmem>> -> memref<1x1x250x80xf32, #tpu.memory_space<vmem>>
    %dma_wait3A_42 = tpu.memref_squeeze %dma_wait3A_41 : memref<1x1x250x80xf32, #tpu.memory_space<vmem>> -> memref<250x80xf32, #tpu.memory_space<vmem>>
    %dma_wait3A_43 = arith.constant 0 : i32
    %dma_wait3A_44 = tpu.memref_slice %arg8[%dma_wait3A_37, %dma_wait3A_38, %dma_wait3A_43] : memref<40x1x250xi32, #tpu.memory_space<vmem>> -> memref<1x1x250xi32, #tpu.memory_space<vmem>>
    %dma_wait3A_45 = tpu.memref_squeeze %dma_wait3A_44 : memref<1x1x250xi32, #tpu.memory_space<vmem>> -> memref<250xi32, #tpu.memory_space<vmem>>
    %dma_wait3A_46 = arith.constant 0 : i32
    %dma_wait3A_47 = arith.constant 0 : i32
    %dma_wait3A_48 = tpu.memref_slice %arg10[%dma_wait3A_46, %dma_wait3A_47] : memref<10000x80xf32, #tpu.memory_space<vmem_shared>> -> memref<10000x80xf32, #tpu.memory_space<vmem_shared>>
    tpu.wait_indirect_dma semaphore(%arg12 : memref<!tpu.dma_semaphore, #tpu.memory_space<semaphore_mem>>) src(%dma_wait3A_42 : memref<250x80xf32, #tpu.memory_space<vmem>>) dst(%dma_wait3A_48 : memref<10000x80xf32, #tpu.memory_space<vmem_shared>>)
    %dma_wait3A_49 = arith.constant 2 : i32
    %dma_wait3A_50 = arith.constant 0 : i32
    %dma_wait3A_51 = arith.constant 38 : i32
    %dma_wait3A_52 = arith.constant 0 : i32
    %dma_wait3A_53 = arith.constant 0 : i32
    %dma_wait3A_54 = arith.constant 0 : i32
    %dma_wait3A_55 = tpu.memref_slice %arg9[%dma_wait3A_49, %dma_wait3A_50, %dma_wait3A_53, %dma_wait3A_54] : memref<3x1x250x80xf32, #tpu.memory_space<vmem>> -> memref<1x1x250x80xf32, #tpu.memory_space<vmem>>
    %dma_wait3A_56 = tpu.memref_squeeze %dma_wait3A_55 : memref<1x1x250x80xf32, #tpu.memory_space<vmem>> -> memref<250x80xf32, #tpu.memory_space<vmem>>
    %dma_wait3A_57 = arith.constant 0 : i32
    %dma_wait3A_58 = tpu.memref_slice %arg8[%dma_wait3A_51, %dma_wait3A_52, %dma_wait3A_57] : memref<40x1x250xi32, #tpu.memory_space<vmem>> -> memref<1x1x250xi32, #tpu.memory_space<vmem>>
    %dma_wait3A_59 = tpu.memref_squeeze %dma_wait3A_58 : memref<1x1x250xi32, #tpu.memory_space<vmem>> -> memref<250xi32, #tpu.memory_space<vmem>>
    %dma_wait3A_60 = arith.constant 0 : i32
    %dma_wait3A_61 = arith.constant 0 : i32
    %dma_wait3A_62 = tpu.memref_slice %arg10[%dma_wait3A_60, %dma_wait3A_61] : memref<10000x80xf32, #tpu.memory_space<vmem_shared>> -> memref<10000x80xf32, #tpu.memory_space<vmem_shared>>
    tpu.wait_indirect_dma semaphore(%arg12 : memref<!tpu.dma_semaphore, #tpu.memory_space<semaphore_mem>>) src(%dma_wait3A_56 : memref<250x80xf32, #tpu.memory_space<vmem>>) dst(%dma_wait3A_62 : memref<10000x80xf32, #tpu.memory_space<vmem_shared>>)
    %dma_wait3A_63 = arith.constant 0 : i32
    %dma_wait3A_64 = arith.constant 0 : i32
    %dma_wait3A_65 = arith.constant 39 : i32
    %dma_wait3A_66 = arith.constant 0 : i32
    %dma_wait3A_67 = arith.constant 0 : i32
    %dma_wait3A_68 = arith.constant 0 : i32
    %dma_wait3A_69 = tpu.memref_slice %arg9[%dma_wait3A_63, %dma_wait3A_64, %dma_wait3A_67, %dma_wait3A_68] : memref<3x1x250x80xf32, #tpu.memory_space<vmem>> -> memref<1x1x250x80xf32, #tpu.memory_space<vmem>>
    %dma_wait3A_70 = tpu.memref_squeeze %dma_wait3A_69 : memref<1x1x250x80xf32, #tpu.memory_space<vmem>> -> memref<250x80xf32, #tpu.memory_space<vmem>>
    %dma_wait3A_71 = arith.constant 0 : i32
    %dma_wait3A_72 = tpu.memref_slice %arg8[%dma_wait3A_65, %dma_wait3A_66, %dma_wait3A_71] : memref<40x1x250xi32, #tpu.memory_space<vmem>> -> memref<1x1x250xi32, #tpu.memory_space<vmem>>
    %dma_wait3A_73 = tpu.memref_squeeze %dma_wait3A_72 : memref<1x1x250xi32, #tpu.memory_space<vmem>> -> memref<250xi32, #tpu.memory_space<vmem>>
    %dma_wait3A_74 = arith.constant 0 : i32
    %dma_wait3A_75 = arith.constant 0 : i32
    %dma_wait3A_76 = tpu.memref_slice %arg10[%dma_wait3A_74, %dma_wait3A_75] : memref<10000x80xf32, #tpu.memory_space<vmem_shared>> -> memref<10000x80xf32, #tpu.memory_space<vmem_shared>>
    tpu.wait_indirect_dma semaphore(%arg12 : memref<!tpu.dma_semaphore, #tpu.memory_space<semaphore_mem>>) src(%dma_wait3A_70 : memref<250x80xf32, #tpu.memory_space<vmem>>) dst(%dma_wait3A_76 : memref<10000x80xf32, #tpu.memory_space<vmem_shared>>)
    %barrier3A_77 = arith.constant 0 : index
    tpu.barrier barrier_id(%barrier3A_77)
    %mul3A_78 = arith.constant 64 : i32
    %mul3A_79 = arith.muli %arg0, %mul3A_78 : i32
    "tpu.region"() ({
      %run_scoped3A_82 = tpu.sem_alloc : memref<!tpu.dma_semaphore, #tpu.memory_space<semaphore_mem>>
      %dma_start3A_83 = tpu.memref_slice %arg5[%mul3A_2, %mul3A_79] : memref<10000x128xf32, #tpu.memory_space<hbm>> -> memref<625x64xf32, #tpu.memory_space<hbm>>
      %dma_start3A_84 = arith.constant 0 : i32
      %dma_start3A_85 = tpu.memref_slice %arg10[%mul3A_2, %dma_start3A_84] : memref<10000x80xf32, #tpu.memory_space<vmem_shared>> -> memref<625x64xf32, #tpu.memory_space<vmem_shared>>
      tpu.enqueue_dma source(%dma_start3A_85 : memref<625x64xf32, #tpu.memory_space<vmem_shared>>) target(%dma_start3A_83 : memref<625x64xf32, #tpu.memory_space<hbm>>) target_semaphore(%run_scoped3A_82 : memref<!tpu.dma_semaphore, #tpu.memory_space<semaphore_mem>>)
      %dma_wait3A_86 = tpu.memref_slice %arg5[%mul3A_2, %mul3A_79] : memref<10000x128xf32, #tpu.memory_space<hbm>> -> memref<625x64xf32, #tpu.memory_space<hbm>>
      %dma_wait3A_87 = arith.constant 0 : i32
      %dma_wait3A_88 = tpu.memref_slice %arg10[%mul3A_2, %dma_wait3A_87] : memref<10000x80xf32, #tpu.memory_space<vmem_shared>> -> memref<625x64xf32, #tpu.memory_space<vmem_shared>>
      tpu.wait_dma2 semaphore(%run_scoped3A_82 : memref<!tpu.dma_semaphore, #tpu.memory_space<semaphore_mem>>) src(%dma_wait3A_88 : memref<625x64xf32, #tpu.memory_space<vmem_shared>>) dst(%dma_wait3A_86 : memref<625x64xf32, #tpu.memory_space<hbm>>)
      tpu.yield
    }) : () -> ()
    %mul3A_80 = arith.constant 16 : i32
    %mul3A_81 = arith.muli %arg0, %mul3A_80 : i32
    "tpu.region"() ({
      %run_scoped3A_82 = tpu.sem_alloc : memref<!tpu.dma_semaphore, #tpu.memory_space<semaphore_mem>>
      %dma_start3A_83 = tpu.memref_slice %arg6[%mul3A_2, %mul3A_81] : memref<10000x128xf32, #tpu.memory_space<hbm>> -> memref<625x16xf32, #tpu.memory_space<hbm>>
      %dma_start3A_84 = arith.constant 64 : i32
      %dma_start3A_85 = tpu.memref_slice %arg10[%mul3A_2, %dma_start3A_84] : memref<10000x80xf32, #tpu.memory_space<vmem_shared>> -> memref<625x16xf32, #tpu.memory_space<vmem_shared>>
      tpu.enqueue_dma source(%dma_start3A_85 : memref<625x16xf32, #tpu.memory_space<vmem_shared>>) target(%dma_start3A_83 : memref<625x16xf32, #tpu.memory_space<hbm>>) target_semaphore(%run_scoped3A_82 : memref<!tpu.dma_semaphore, #tpu.memory_space<semaphore_mem>>)
      %dma_wait3A_86 = tpu.memref_slice %arg6[%mul3A_2, %mul3A_81] : memref<10000x128xf32, #tpu.memory_space<hbm>> -> memref<625x16xf32, #tpu.memory_space<hbm>>
      %dma_wait3A_87 = arith.constant 64 : i32
      %dma_wait3A_88 = tpu.memref_slice %arg10[%mul3A_2, %dma_wait3A_87] : memref<10000x80xf32, #tpu.memory_space<vmem_shared>> -> memref<625x16xf32, #tpu.memory_space<vmem_shared>>
      tpu.wait_dma2 semaphore(%run_scoped3A_82 : memref<!tpu.dma_semaphore, #tpu.memory_space<semaphore_mem>>) src(%dma_wait3A_88 : memref<625x16xf32, #tpu.memory_space<vmem_shared>>) dst(%dma_wait3A_86 : memref<625x16xf32, #tpu.memory_space<hbm>>)
      tpu.yield
    }) : () -> ()
    return
  }
}

#map = affine_map<(d0, d1) -> (0, 0)>
#map1 = affine_map<(d0, d1) -> (0, 0, 0, 0, 0)>
module attributes {stable_mosaic.version = 14 : i64} {
  func.func @edge_agg_w64(%arg0: i32, %arg1: i32, %arg2: memref<10000x64xf32, #tpu.memory_space<hbm>>, %arg3: memref<2x32x40x1x250xi32, #tpu.memory_space<hbm>>, %arg4: memref<625x64xf32, #tpu.memory_space<hbm>>, %arg5: memref<10000x128xf32, #tpu.memory_space<hbm>>, %arg6: memref<40x1x250xi32, #tpu.memory_space<vmem>>, %arg7: memref<40x1x250xi32, #tpu.memory_space<vmem>>, %arg8: memref<3x1x250x64xf32, #tpu.memory_space<vmem>>, %arg9: memref<10000x64xf32, #tpu.memory_space<vmem_shared>>, %arg10: memref<!tpu.dma_semaphore, #tpu.memory_space<semaphore_mem>>, %arg11: memref<!tpu.dma_semaphore, #tpu.memory_space<semaphore_mem>>) attributes {dimension_semantics = [#tpu.dimension_semantics<core_parallel>, #tpu.dimension_semantics<subcore_parallel>], iteration_bounds = array<i64: 2, 16>, scalar_prefetch = 0 : i64, scratch_operands = 6 : i64, tpu.core_type = #tpu.core_type<sc_vector_subcore>, window_params = [{transform_indices = #map}, {transform_indices = #map1}, {transform_indices = #map}, {transform_indices = #map}]} {
    %mul3A = arith.constant 2 : i32
    %mul3A_0 = arith.muli %arg1, %mul3A : i32
    %add3A = arith.addi %mul3A_0, %arg0 : i32
    %mul3A_1 = arith.constant 625 : i32
    %mul3A_2 = arith.muli %arg1, %mul3A_1 : i32
    %run_scoped3A = arith.constant 0 : i32
    "tpu.region"() ({
      %run_scoped3A_80 = tpu.sem_alloc : memref<!tpu.dma_semaphore, #tpu.memory_space<semaphore_mem>>
      %dma_start3A_81 = arith.constant 0 : i32
      %dma_start3A_82 = arith.constant 0 : i32
      %dma_start3A_83 = arith.constant 0 : i32
      %dma_start3A_84 = tpu.memref_slice %arg3[%run_scoped3A, %add3A, %dma_start3A_81, %dma_start3A_82, %dma_start3A_83] : memref<2x32x40x1x250xi32, #tpu.memory_space<hbm>> -> memref<1x1x40x1x250xi32, #tpu.memory_space<hbm>>
      %dma_start3A_85 = tpu.memref_squeeze %dma_start3A_84 : memref<1x1x40x1x250xi32, #tpu.memory_space<hbm>> -> memref<40x1x250xi32, #tpu.memory_space<hbm>>
      %dma_start3A_86 = arith.constant 0 : i32
      %dma_start3A_87 = arith.constant 0 : i32
      %dma_start3A_88 = arith.constant 0 : i32
      %dma_start3A_89 = tpu.memref_slice %arg3[%run_scoped3A, %add3A, %dma_start3A_86, %dma_start3A_87, %dma_start3A_88] : memref<2x32x40x1x250xi32, #tpu.memory_space<hbm>> -> memref<1x1x40x1x250xi32, #tpu.memory_space<hbm>>
      %dma_start3A_90 = tpu.memref_squeeze %dma_start3A_89 : memref<1x1x40x1x250xi32, #tpu.memory_space<hbm>> -> memref<40x1x250xi32, #tpu.memory_space<hbm>>
      tpu.enqueue_dma source(%dma_start3A_90 : memref<40x1x250xi32, #tpu.memory_space<hbm>>) target(%arg6 : memref<40x1x250xi32, #tpu.memory_space<vmem>>) target_semaphore(%run_scoped3A_80 : memref<!tpu.dma_semaphore, #tpu.memory_space<semaphore_mem>>)
      %dma_wait3A_91 = arith.constant 0 : i32
      %dma_wait3A_92 = arith.constant 0 : i32
      %dma_wait3A_93 = arith.constant 0 : i32
      %dma_wait3A_94 = tpu.memref_slice %arg3[%run_scoped3A, %add3A, %dma_wait3A_91, %dma_wait3A_92, %dma_wait3A_93] : memref<2x32x40x1x250xi32, #tpu.memory_space<hbm>> -> memref<1x1x40x1x250xi32, #tpu.memory_space<hbm>>
      %dma_wait3A_95 = tpu.memref_squeeze %dma_wait3A_94 : memref<1x1x40x1x250xi32, #tpu.memory_space<hbm>> -> memref<40x1x250xi32, #tpu.memory_space<hbm>>
      %dma_wait3A_96 = arith.constant 0 : i32
      %dma_wait3A_97 = arith.constant 0 : i32
      %dma_wait3A_98 = arith.constant 0 : i32
      %dma_wait3A_99 = tpu.memref_slice %arg3[%run_scoped3A, %add3A, %dma_wait3A_96, %dma_wait3A_97, %dma_wait3A_98] : memref<2x32x40x1x250xi32, #tpu.memory_space<hbm>> -> memref<1x1x40x1x250xi32, #tpu.memory_space<hbm>>
      %dma_wait3A_100 = tpu.memref_squeeze %dma_wait3A_99 : memref<1x1x40x1x250xi32, #tpu.memory_space<hbm>> -> memref<40x1x250xi32, #tpu.memory_space<hbm>>
      tpu.wait_dma2 semaphore(%run_scoped3A_80 : memref<!tpu.dma_semaphore, #tpu.memory_space<semaphore_mem>>) src(%dma_wait3A_100 : memref<40x1x250xi32, #tpu.memory_space<hbm>>) dst(%arg6 : memref<40x1x250xi32, #tpu.memory_space<vmem>>)
      tpu.yield
    }) : () -> ()
    %run_scoped3A_3 = arith.constant 1 : i32
    "tpu.region"() ({
      %run_scoped3A_80 = tpu.sem_alloc : memref<!tpu.dma_semaphore, #tpu.memory_space<semaphore_mem>>
      %dma_start3A_81 = arith.constant 0 : i32
      %dma_start3A_82 = arith.constant 0 : i32
      %dma_start3A_83 = arith.constant 0 : i32
      %dma_start3A_84 = tpu.memref_slice %arg3[%run_scoped3A_3, %add3A, %dma_start3A_81, %dma_start3A_82, %dma_start3A_83] : memref<2x32x40x1x250xi32, #tpu.memory_space<hbm>> -> memref<1x1x40x1x250xi32, #tpu.memory_space<hbm>>
      %dma_start3A_85 = tpu.memref_squeeze %dma_start3A_84 : memref<1x1x40x1x250xi32, #tpu.memory_space<hbm>> -> memref<40x1x250xi32, #tpu.memory_space<hbm>>
      %dma_start3A_86 = arith.constant 0 : i32
      %dma_start3A_87 = arith.constant 0 : i32
      %dma_start3A_88 = arith.constant 0 : i32
      %dma_start3A_89 = tpu.memref_slice %arg3[%run_scoped3A_3, %add3A, %dma_start3A_86, %dma_start3A_87, %dma_start3A_88] : memref<2x32x40x1x250xi32, #tpu.memory_space<hbm>> -> memref<1x1x40x1x250xi32, #tpu.memory_space<hbm>>
      %dma_start3A_90 = tpu.memref_squeeze %dma_start3A_89 : memref<1x1x40x1x250xi32, #tpu.memory_space<hbm>> -> memref<40x1x250xi32, #tpu.memory_space<hbm>>
      tpu.enqueue_dma source(%dma_start3A_90 : memref<40x1x250xi32, #tpu.memory_space<hbm>>) target(%arg7 : memref<40x1x250xi32, #tpu.memory_space<vmem>>) target_semaphore(%run_scoped3A_80 : memref<!tpu.dma_semaphore, #tpu.memory_space<semaphore_mem>>)
      %dma_wait3A_91 = arith.constant 0 : i32
      %dma_wait3A_92 = arith.constant 0 : i32
      %dma_wait3A_93 = arith.constant 0 : i32
      %dma_wait3A_94 = tpu.memref_slice %arg3[%run_scoped3A_3, %add3A, %dma_wait3A_91, %dma_wait3A_92, %dma_wait3A_93] : memref<2x32x40x1x250xi32, #tpu.memory_space<hbm>> -> memref<1x1x40x1x250xi32, #tpu.memory_space<hbm>>
      %dma_wait3A_95 = tpu.memref_squeeze %dma_wait3A_94 : memref<1x1x40x1x250xi32, #tpu.memory_space<hbm>> -> memref<40x1x250xi32, #tpu.memory_space<hbm>>
      %dma_wait3A_96 = arith.constant 0 : i32
      %dma_wait3A_97 = arith.constant 0 : i32
      %dma_wait3A_98 = arith.constant 0 : i32
      %dma_wait3A_99 = tpu.memref_slice %arg3[%run_scoped3A_3, %add3A, %dma_wait3A_96, %dma_wait3A_97, %dma_wait3A_98] : memref<2x32x40x1x250xi32, #tpu.memory_space<hbm>> -> memref<1x1x40x1x250xi32, #tpu.memory_space<hbm>>
      %dma_wait3A_100 = tpu.memref_squeeze %dma_wait3A_99 : memref<1x1x40x1x250xi32, #tpu.memory_space<hbm>> -> memref<40x1x250xi32, #tpu.memory_space<hbm>>
      tpu.wait_dma2 semaphore(%run_scoped3A_80 : memref<!tpu.dma_semaphore, #tpu.memory_space<semaphore_mem>>) src(%dma_wait3A_100 : memref<40x1x250xi32, #tpu.memory_space<hbm>>) dst(%arg7 : memref<40x1x250xi32, #tpu.memory_space<vmem>>)
      tpu.yield
    }) : () -> ()
    %dma_start3A = arith.constant 0 : i32
    %dma_start3A_4 = arith.constant 0 : i32
    %dma_start3A_5 = arith.constant 0 : i32
    %dma_start3A_6 = arith.constant 0 : i32
    %dma_start3A_7 = arith.constant 0 : i32
    %dma_start3A_8 = arith.constant 0 : i32
    %dma_start3A_9 = tpu.memref_slice %arg8[%dma_start3A_5, %dma_start3A_6, %dma_start3A_7, %dma_start3A_8] : memref<3x1x250x64xf32, #tpu.memory_space<vmem>> -> memref<1x1x250x64xf32, #tpu.memory_space<vmem>>
    %dma_start3A_10 = tpu.memref_squeeze %dma_start3A_9 : memref<1x1x250x64xf32, #tpu.memory_space<vmem>> -> memref<250x64xf32, #tpu.memory_space<vmem>>
    %dma_start3A_11 = arith.constant 0 : i32
    %dma_start3A_12 = tpu.memref_slice %arg6[%dma_start3A, %dma_start3A_4, %dma_start3A_11] : memref<40x1x250xi32, #tpu.memory_space<vmem>> -> memref<1x1x250xi32, #tpu.memory_space<vmem>>
    %dma_start3A_13 = tpu.memref_squeeze %dma_start3A_12 : memref<1x1x250xi32, #tpu.memory_space<vmem>> -> memref<250xi32, #tpu.memory_space<vmem>>
    %dma_start3A_14 = arith.constant 0 : i32
    %dma_start3A_15 = arith.constant 0 : i32
    %dma_start3A_16 = tpu.memref_slice %arg2[%dma_start3A_14, %dma_start3A_15] : memref<10000x64xf32, #tpu.memory_space<hbm>> -> memref<10000x64xf32, #tpu.memory_space<hbm>>
    tpu.enqueue_indirect_dma source(%dma_start3A_16 : memref<10000x64xf32, #tpu.memory_space<hbm>>) target(%dma_start3A_10 : memref<250x64xf32, #tpu.memory_space<vmem>>) offsets(%dma_start3A_13 : memref<250xi32, #tpu.memory_space<vmem>>) semaphore(%arg10 : memref<!tpu.dma_semaphore, #tpu.memory_space<semaphore_mem>>)
    %dma_start3A_17 = arith.constant 1 : i32
    %dma_start3A_18 = arith.constant 0 : i32
    %dma_start3A_19 = arith.constant 1 : i32
    %dma_start3A_20 = arith.constant 0 : i32
    %dma_start3A_21 = arith.constant 0 : i32
    %dma_start3A_22 = arith.constant 0 : i32
    %dma_start3A_23 = tpu.memref_slice %arg8[%dma_start3A_19, %dma_start3A_20, %dma_start3A_21, %dma_start3A_22] : memref<3x1x250x64xf32, #tpu.memory_space<vmem>> -> memref<1x1x250x64xf32, #tpu.memory_space<vmem>>
    %dma_start3A_24 = tpu.memref_squeeze %dma_start3A_23 : memref<1x1x250x64xf32, #tpu.memory_space<vmem>> -> memref<250x64xf32, #tpu.memory_space<vmem>>
    %dma_start3A_25 = arith.constant 0 : i32
    %dma_start3A_26 = tpu.memref_slice %arg6[%dma_start3A_17, %dma_start3A_18, %dma_start3A_25] : memref<40x1x250xi32, #tpu.memory_space<vmem>> -> memref<1x1x250xi32, #tpu.memory_space<vmem>>
    %dma_start3A_27 = tpu.memref_squeeze %dma_start3A_26 : memref<1x1x250xi32, #tpu.memory_space<vmem>> -> memref<250xi32, #tpu.memory_space<vmem>>
    %dma_start3A_28 = arith.constant 0 : i32
    %dma_start3A_29 = arith.constant 0 : i32
    %dma_start3A_30 = tpu.memref_slice %arg2[%dma_start3A_28, %dma_start3A_29] : memref<10000x64xf32, #tpu.memory_space<hbm>> -> memref<10000x64xf32, #tpu.memory_space<hbm>>
    tpu.enqueue_indirect_dma source(%dma_start3A_30 : memref<10000x64xf32, #tpu.memory_space<hbm>>) target(%dma_start3A_24 : memref<250x64xf32, #tpu.memory_space<vmem>>) offsets(%dma_start3A_27 : memref<250xi32, #tpu.memory_space<vmem>>) semaphore(%arg10 : memref<!tpu.dma_semaphore, #tpu.memory_space<semaphore_mem>>)
    "tpu.region"() ({
      %run_scoped3A_80 = tpu.sem_alloc : memref<!tpu.dma_semaphore, #tpu.memory_space<semaphore_mem>>
      %dma_start3A_81 = arith.constant 0 : i32
      %dma_start3A_82 = tpu.memref_slice %arg9[%mul3A_2, %dma_start3A_81] : memref<10000x64xf32, #tpu.memory_space<vmem_shared>> -> memref<625x64xf32, #tpu.memory_space<vmem_shared>>
      tpu.enqueue_dma source(%arg4 : memref<625x64xf32, #tpu.memory_space<hbm>>) target(%dma_start3A_82 : memref<625x64xf32, #tpu.memory_space<vmem_shared>>) target_semaphore(%run_scoped3A_80 : memref<!tpu.dma_semaphore, #tpu.memory_space<semaphore_mem>>)
      %dma_wait3A_83 = arith.constant 0 : i32
      %dma_wait3A_84 = tpu.memref_slice %arg9[%mul3A_2, %dma_wait3A_83] : memref<10000x64xf32, #tpu.memory_space<vmem_shared>> -> memref<625x64xf32, #tpu.memory_space<vmem_shared>>
      tpu.wait_dma2 semaphore(%run_scoped3A_80 : memref<!tpu.dma_semaphore, #tpu.memory_space<semaphore_mem>>) src(%arg4 : memref<625x64xf32, #tpu.memory_space<hbm>>) dst(%dma_wait3A_84 : memref<625x64xf32, #tpu.memory_space<vmem_shared>>)
      tpu.yield
    }) : () -> ()
    %barrier3A = arith.constant 0 : index
    tpu.barrier barrier_id(%barrier3A)
    %scan3A = arith.constant 0 : i32
    %scan3A_31 = arith.constant 0 : i32
    %scan3A_32 = arith.constant 40 : i32
    %scan3A_33 = arith.addi %scan3A_31, %scan3A_32 : i32
    %scan3A_34 = arith.constant 1 : i32
    scf.for %scan3A_80 = %scan3A_31 to %scan3A_33 step %scan3A_34  : i32 {
      %rem3A = arith.constant 3 : i32
      %rem3A_81 = arith.remsi %scan3A_80, %rem3A : i32
      %add3A_82 = arith.constant 3 : i32
      %add3A_83 = arith.addi %scan3A_80, %add3A_82 : i32
      %sub3A = arith.constant 1 : i32
      %sub3A_84 = arith.subi %add3A_83, %sub3A : i32
      %lt3A = arith.constant 40 : i32
      %lt3A_85 = arith.cmpi slt, %sub3A_84, %lt3A : i32
      %convert_element_type3A = arith.extui %lt3A_85 : i1 to i32
      %cond3A = arith.constant 0 : i32
      %cond3A_86 = arith.cmpi ne, %convert_element_type3A, %cond3A : i32
      scf.if %cond3A_86 {
        %ge3A = arith.constant 1 : i32
        %ge3A_112 = arith.cmpi sge, %scan3A_80, %ge3A : i32
        %convert_element_type3A_113 = arith.extui %ge3A_112 : i1 to i32
        %cond3A_114 = arith.constant 0 : i32
        %cond3A_115 = arith.cmpi ne, %convert_element_type3A_113, %cond3A_114 : i32
        scf.if %cond3A_115 {
          %sub3A_130 = arith.constant 1 : i32
          %sub3A_131 = arith.subi %scan3A_80, %sub3A_130 : i32
          %sub3A_132 = arith.constant 1 : i32
          %sub3A_133 = arith.subi %scan3A_80, %sub3A_132 : i32
          %rem3A_134 = arith.constant 3 : i32
          %rem3A_135 = arith.remsi %sub3A_133, %rem3A_134 : i32
          %dma_wait3A_136 = arith.constant 0 : i32
          %dma_wait3A_137 = arith.constant 0 : i32
          %dma_wait3A_138 = arith.constant 0 : i32
          %dma_wait3A_139 = arith.constant 0 : i32
          %dma_wait3A_140 = tpu.memref_slice %arg8[%rem3A_135, %dma_wait3A_136, %dma_wait3A_138, %dma_wait3A_139] : memref<3x1x250x64xf32, #tpu.memory_space<vmem>> -> memref<1x1x250x64xf32, #tpu.memory_space<vmem>>
          %dma_wait3A_141 = tpu.memref_squeeze %dma_wait3A_140 : memref<1x1x250x64xf32, #tpu.memory_space<vmem>> -> memref<250x64xf32, #tpu.memory_space<vmem>>
          %dma_wait3A_142 = arith.constant 0 : i32
          %dma_wait3A_143 = tpu.memref_slice %arg7[%sub3A_131, %dma_wait3A_137, %dma_wait3A_142] : memref<40x1x250xi32, #tpu.memory_space<vmem>> -> memref<1x1x250xi32, #tpu.memory_space<vmem>>
          %dma_wait3A_144 = tpu.memref_squeeze %dma_wait3A_143 : memref<1x1x250xi32, #tpu.memory_space<vmem>> -> memref<250xi32, #tpu.memory_space<vmem>>
          %dma_wait3A_145 = arith.constant 0 : i32
          %dma_wait3A_146 = arith.constant 0 : i32
          %dma_wait3A_147 = tpu.memref_slice %arg9[%dma_wait3A_145, %dma_wait3A_146] : memref<10000x64xf32, #tpu.memory_space<vmem_shared>> -> memref<10000x64xf32, #tpu.memory_space<vmem_shared>>
          tpu.wait_indirect_dma semaphore(%arg11 : memref<!tpu.dma_semaphore, #tpu.memory_space<semaphore_mem>>) src(%dma_wait3A_141 : memref<250x64xf32, #tpu.memory_space<vmem>>) dst(%dma_wait3A_147 : memref<10000x64xf32, #tpu.memory_space<vmem_shared>>)
        } else {
        }
        %rem3A_116 = arith.constant 3 : i32
        %rem3A_117 = arith.remsi %sub3A_84, %rem3A_116 : i32
        %dma_start3A_118 = arith.constant 0 : i32
        %dma_start3A_119 = arith.constant 0 : i32
        %dma_start3A_120 = arith.constant 0 : i32
        %dma_start3A_121 = arith.constant 0 : i32
        %dma_start3A_122 = tpu.memref_slice %arg8[%rem3A_117, %dma_start3A_119, %dma_start3A_120, %dma_start3A_121] : memref<3x1x250x64xf32, #tpu.memory_space<vmem>> -> memref<1x1x250x64xf32, #tpu.memory_space<vmem>>
        %dma_start3A_123 = tpu.memref_squeeze %dma_start3A_122 : memref<1x1x250x64xf32, #tpu.memory_space<vmem>> -> memref<250x64xf32, #tpu.memory_space<vmem>>
        %dma_start3A_124 = arith.constant 0 : i32
        %dma_start3A_125 = tpu.memref_slice %arg6[%sub3A_84, %dma_start3A_118, %dma_start3A_124] : memref<40x1x250xi32, #tpu.memory_space<vmem>> -> memref<1x1x250xi32, #tpu.memory_space<vmem>>
        %dma_start3A_126 = tpu.memref_squeeze %dma_start3A_125 : memref<1x1x250xi32, #tpu.memory_space<vmem>> -> memref<250xi32, #tpu.memory_space<vmem>>
        %dma_start3A_127 = arith.constant 0 : i32
        %dma_start3A_128 = arith.constant 0 : i32
        %dma_start3A_129 = tpu.memref_slice %arg2[%dma_start3A_127, %dma_start3A_128] : memref<10000x64xf32, #tpu.memory_space<hbm>> -> memref<10000x64xf32, #tpu.memory_space<hbm>>
        tpu.enqueue_indirect_dma source(%dma_start3A_129 : memref<10000x64xf32, #tpu.memory_space<hbm>>) target(%dma_start3A_123 : memref<250x64xf32, #tpu.memory_space<vmem>>) offsets(%dma_start3A_126 : memref<250xi32, #tpu.memory_space<vmem>>) semaphore(%arg10 : memref<!tpu.dma_semaphore, #tpu.memory_space<semaphore_mem>>)
      } else {
      }
      %dma_wait3A_87 = arith.constant 0 : i32
      %dma_wait3A_88 = arith.constant 0 : i32
      %dma_wait3A_89 = arith.constant 0 : i32
      %dma_wait3A_90 = arith.constant 0 : i32
      %dma_wait3A_91 = arith.constant 0 : i32
      %dma_wait3A_92 = tpu.memref_slice %arg8[%rem3A_81, %dma_wait3A_89, %dma_wait3A_90, %dma_wait3A_91] : memref<3x1x250x64xf32, #tpu.memory_space<vmem>> -> memref<1x1x250x64xf32, #tpu.memory_space<vmem>>
      %dma_wait3A_93 = tpu.memref_squeeze %dma_wait3A_92 : memref<1x1x250x64xf32, #tpu.memory_space<vmem>> -> memref<250x64xf32, #tpu.memory_space<vmem>>
      %dma_wait3A_94 = arith.constant 0 : i32
      %dma_wait3A_95 = tpu.memref_slice %arg6[%dma_wait3A_87, %dma_wait3A_88, %dma_wait3A_94] : memref<40x1x250xi32, #tpu.memory_space<vmem>> -> memref<1x1x250xi32, #tpu.memory_space<vmem>>
      %dma_wait3A_96 = tpu.memref_squeeze %dma_wait3A_95 : memref<1x1x250xi32, #tpu.memory_space<vmem>> -> memref<250xi32, #tpu.memory_space<vmem>>
      %dma_wait3A_97 = arith.constant 0 : i32
      %dma_wait3A_98 = arith.constant 0 : i32
      %dma_wait3A_99 = tpu.memref_slice %arg2[%dma_wait3A_97, %dma_wait3A_98] : memref<10000x64xf32, #tpu.memory_space<hbm>> -> memref<10000x64xf32, #tpu.memory_space<hbm>>
      tpu.wait_indirect_dma semaphore(%arg10 : memref<!tpu.dma_semaphore, #tpu.memory_space<semaphore_mem>>) src(%dma_wait3A_99 : memref<10000x64xf32, #tpu.memory_space<hbm>>) dst(%dma_wait3A_93 : memref<250x64xf32, #tpu.memory_space<vmem>>)
      %dma_start3A_100 = arith.constant 0 : i32
      %dma_start3A_101 = arith.constant 0 : i32
      %dma_start3A_102 = arith.constant 0 : i32
      %dma_start3A_103 = arith.constant 0 : i32
      %dma_start3A_104 = tpu.memref_slice %arg8[%rem3A_81, %dma_start3A_100, %dma_start3A_102, %dma_start3A_103] : memref<3x1x250x64xf32, #tpu.memory_space<vmem>> -> memref<1x1x250x64xf32, #tpu.memory_space<vmem>>
      %dma_start3A_105 = tpu.memref_squeeze %dma_start3A_104 : memref<1x1x250x64xf32, #tpu.memory_space<vmem>> -> memref<250x64xf32, #tpu.memory_space<vmem>>
      %dma_start3A_106 = arith.constant 0 : i32
      %dma_start3A_107 = tpu.memref_slice %arg7[%scan3A_80, %dma_start3A_101, %dma_start3A_106] : memref<40x1x250xi32, #tpu.memory_space<vmem>> -> memref<1x1x250xi32, #tpu.memory_space<vmem>>
      %dma_start3A_108 = tpu.memref_squeeze %dma_start3A_107 : memref<1x1x250xi32, #tpu.memory_space<vmem>> -> memref<250xi32, #tpu.memory_space<vmem>>
      %dma_start3A_109 = arith.constant 0 : i32
      %dma_start3A_110 = arith.constant 0 : i32
      %dma_start3A_111 = tpu.memref_slice %arg9[%dma_start3A_109, %dma_start3A_110] : memref<10000x64xf32, #tpu.memory_space<vmem_shared>> -> memref<10000x64xf32, #tpu.memory_space<vmem_shared>>
      tpu.enqueue_indirect_dma source(%dma_start3A_105 : memref<250x64xf32, #tpu.memory_space<vmem>>) target(%dma_start3A_111 : memref<10000x64xf32, #tpu.memory_space<vmem_shared>>) offsets(%dma_start3A_108 : memref<250xi32, #tpu.memory_space<vmem>>) semaphore(%arg11 : memref<!tpu.dma_semaphore, #tpu.memory_space<semaphore_mem>>) {add = true}
    }
    %scan3A_35 = arith.constant 40 : i32
    %dma_wait3A = arith.constant 1 : i32
    %dma_wait3A_36 = arith.constant 0 : i32
    %dma_wait3A_37 = arith.constant 37 : i32
    %dma_wait3A_38 = arith.constant 0 : i32
    %dma_wait3A_39 = arith.constant 0 : i32
    %dma_wait3A_40 = arith.constant 0 : i32
    %dma_wait3A_41 = tpu.memref_slice %arg8[%dma_wait3A, %dma_wait3A_36, %dma_wait3A_39, %dma_wait3A_40] : memref<3x1x250x64xf32, #tpu.memory_space<vmem>> -> memref<1x1x250x64xf32, #tpu.memory_space<vmem>>
    %dma_wait3A_42 = tpu.memref_squeeze %dma_wait3A_41 : memref<1x1x250x64xf32, #tpu.memory_space<vmem>> -> memref<250x64xf32, #tpu.memory_space<vmem>>
    %dma_wait3A_43 = arith.constant 0 : i32
    %dma_wait3A_44 = tpu.memref_slice %arg7[%dma_wait3A_37, %dma_wait3A_38, %dma_wait3A_43] : memref<40x1x250xi32, #tpu.memory_space<vmem>> -> memref<1x1x250xi32, #tpu.memory_space<vmem>>
    %dma_wait3A_45 = tpu.memref_squeeze %dma_wait3A_44 : memref<1x1x250xi32, #tpu.memory_space<vmem>> -> memref<250xi32, #tpu.memory_space<vmem>>
    %dma_wait3A_46 = arith.constant 0 : i32
    %dma_wait3A_47 = arith.constant 0 : i32
    %dma_wait3A_48 = tpu.memref_slice %arg9[%dma_wait3A_46, %dma_wait3A_47] : memref<10000x64xf32, #tpu.memory_space<vmem_shared>> -> memref<10000x64xf32, #tpu.memory_space<vmem_shared>>
    tpu.wait_indirect_dma semaphore(%arg11 : memref<!tpu.dma_semaphore, #tpu.memory_space<semaphore_mem>>) src(%dma_wait3A_42 : memref<250x64xf32, #tpu.memory_space<vmem>>) dst(%dma_wait3A_48 : memref<10000x64xf32, #tpu.memory_space<vmem_shared>>)
    %dma_wait3A_49 = arith.constant 2 : i32
    %dma_wait3A_50 = arith.constant 0 : i32
    %dma_wait3A_51 = arith.constant 38 : i32
    %dma_wait3A_52 = arith.constant 0 : i32
    %dma_wait3A_53 = arith.constant 0 : i32
    %dma_wait3A_54 = arith.constant 0 : i32
    %dma_wait3A_55 = tpu.memref_slice %arg8[%dma_wait3A_49, %dma_wait3A_50, %dma_wait3A_53, %dma_wait3A_54] : memref<3x1x250x64xf32, #tpu.memory_space<vmem>> -> memref<1x1x250x64xf32, #tpu.memory_space<vmem>>
    %dma_wait3A_56 = tpu.memref_squeeze %dma_wait3A_55 : memref<1x1x250x64xf32, #tpu.memory_space<vmem>> -> memref<250x64xf32, #tpu.memory_space<vmem>>
    %dma_wait3A_57 = arith.constant 0 : i32
    %dma_wait3A_58 = tpu.memref_slice %arg7[%dma_wait3A_51, %dma_wait3A_52, %dma_wait3A_57] : memref<40x1x250xi32, #tpu.memory_space<vmem>> -> memref<1x1x250xi32, #tpu.memory_space<vmem>>
    %dma_wait3A_59 = tpu.memref_squeeze %dma_wait3A_58 : memref<1x1x250xi32, #tpu.memory_space<vmem>> -> memref<250xi32, #tpu.memory_space<vmem>>
    %dma_wait3A_60 = arith.constant 0 : i32
    %dma_wait3A_61 = arith.constant 0 : i32
    %dma_wait3A_62 = tpu.memref_slice %arg9[%dma_wait3A_60, %dma_wait3A_61] : memref<10000x64xf32, #tpu.memory_space<vmem_shared>> -> memref<10000x64xf32, #tpu.memory_space<vmem_shared>>
    tpu.wait_indirect_dma semaphore(%arg11 : memref<!tpu.dma_semaphore, #tpu.memory_space<semaphore_mem>>) src(%dma_wait3A_56 : memref<250x64xf32, #tpu.memory_space<vmem>>) dst(%dma_wait3A_62 : memref<10000x64xf32, #tpu.memory_space<vmem_shared>>)
    %dma_wait3A_63 = arith.constant 0 : i32
    %dma_wait3A_64 = arith.constant 0 : i32
    %dma_wait3A_65 = arith.constant 39 : i32
    %dma_wait3A_66 = arith.constant 0 : i32
    %dma_wait3A_67 = arith.constant 0 : i32
    %dma_wait3A_68 = arith.constant 0 : i32
    %dma_wait3A_69 = tpu.memref_slice %arg8[%dma_wait3A_63, %dma_wait3A_64, %dma_wait3A_67, %dma_wait3A_68] : memref<3x1x250x64xf32, #tpu.memory_space<vmem>> -> memref<1x1x250x64xf32, #tpu.memory_space<vmem>>
    %dma_wait3A_70 = tpu.memref_squeeze %dma_wait3A_69 : memref<1x1x250x64xf32, #tpu.memory_space<vmem>> -> memref<250x64xf32, #tpu.memory_space<vmem>>
    %dma_wait3A_71 = arith.constant 0 : i32
    %dma_wait3A_72 = tpu.memref_slice %arg7[%dma_wait3A_65, %dma_wait3A_66, %dma_wait3A_71] : memref<40x1x250xi32, #tpu.memory_space<vmem>> -> memref<1x1x250xi32, #tpu.memory_space<vmem>>
    %dma_wait3A_73 = tpu.memref_squeeze %dma_wait3A_72 : memref<1x1x250xi32, #tpu.memory_space<vmem>> -> memref<250xi32, #tpu.memory_space<vmem>>
    %dma_wait3A_74 = arith.constant 0 : i32
    %dma_wait3A_75 = arith.constant 0 : i32
    %dma_wait3A_76 = tpu.memref_slice %arg9[%dma_wait3A_74, %dma_wait3A_75] : memref<10000x64xf32, #tpu.memory_space<vmem_shared>> -> memref<10000x64xf32, #tpu.memory_space<vmem_shared>>
    tpu.wait_indirect_dma semaphore(%arg11 : memref<!tpu.dma_semaphore, #tpu.memory_space<semaphore_mem>>) src(%dma_wait3A_70 : memref<250x64xf32, #tpu.memory_space<vmem>>) dst(%dma_wait3A_76 : memref<10000x64xf32, #tpu.memory_space<vmem_shared>>)
    %barrier3A_77 = arith.constant 0 : index
    tpu.barrier barrier_id(%barrier3A_77)
    %mul3A_78 = arith.constant 64 : i32
    %mul3A_79 = arith.muli %arg0, %mul3A_78 : i32
    "tpu.region"() ({
      %run_scoped3A_80 = tpu.sem_alloc : memref<!tpu.dma_semaphore, #tpu.memory_space<semaphore_mem>>
      %dma_start3A_81 = tpu.memref_slice %arg5[%mul3A_2, %mul3A_79] : memref<10000x128xf32, #tpu.memory_space<hbm>> -> memref<625x64xf32, #tpu.memory_space<hbm>>
      %dma_start3A_82 = arith.constant 0 : i32
      %dma_start3A_83 = tpu.memref_slice %arg9[%mul3A_2, %dma_start3A_82] : memref<10000x64xf32, #tpu.memory_space<vmem_shared>> -> memref<625x64xf32, #tpu.memory_space<vmem_shared>>
      tpu.enqueue_dma source(%dma_start3A_83 : memref<625x64xf32, #tpu.memory_space<vmem_shared>>) target(%dma_start3A_81 : memref<625x64xf32, #tpu.memory_space<hbm>>) target_semaphore(%run_scoped3A_80 : memref<!tpu.dma_semaphore, #tpu.memory_space<semaphore_mem>>)
      %dma_wait3A_84 = tpu.memref_slice %arg5[%mul3A_2, %mul3A_79] : memref<10000x128xf32, #tpu.memory_space<hbm>> -> memref<625x64xf32, #tpu.memory_space<hbm>>
      %dma_wait3A_85 = arith.constant 0 : i32
      %dma_wait3A_86 = tpu.memref_slice %arg9[%mul3A_2, %dma_wait3A_85] : memref<10000x64xf32, #tpu.memory_space<vmem_shared>> -> memref<625x64xf32, #tpu.memory_space<vmem_shared>>
      tpu.wait_dma2 semaphore(%run_scoped3A_80 : memref<!tpu.dma_semaphore, #tpu.memory_space<semaphore_mem>>) src(%dma_wait3A_86 : memref<625x64xf32, #tpu.memory_space<vmem_shared>>) dst(%dma_wait3A_84 : memref<625x64xf32, #tpu.memory_space<hbm>>)
      tpu.yield
    }) : () -> ()
    return
  }
}

module attributes {stable_mosaic.version = 14 : i64} {
  func.func @_pre_p_body(%arg0: i32, %arg1: memref<1000x128xf32, #tpu.memory_space<vmem>>, %arg2: memref<64x128xf32, #tpu.memory_space<vmem>>, %arg3: memref<1000x80xf32, #tpu.memory_space<vmem>>) attributes {dimension_semantics = [#tpu.dimension_semantics<arbitrary>], iteration_bounds = array<i64: 10>, scalar_prefetch = 0 : i64, scratch_operands = 0 : i64, tpu.core_type = #tpu.core_type<tc>, window_params = [{transform_indices = @transform_0, window_bounds = array<i64: 1000, 128>}, {pipeline_mode = #tpu.pipeline_mode<synchronous>, transform_indices = @transform_1, window_bounds = array<i64: 64, 128>}, {transform_indices = @transform_2, window_bounds = array<i64: 1000, 80>}]} {
    %get3A = arith.constant 0 : index
    %get3A_0 = arith.constant 0 : index
    %get3A_1 = vector.load %arg1[%get3A, %get3A_0] : memref<1000x128xf32, #tpu.memory_space<vmem>>, vector<1000x128xf32>
    %get3A_2 = arith.constant 0 : index
    %get3A_3 = arith.constant 0 : index
    %get3A_4 = vector.load %arg2[%get3A_2, %get3A_3] : memref<64x128xf32, #tpu.memory_space<vmem>>, vector<64x128xf32>
    %dot_general3A = arith.constant dense<0.000000e+00> : vector<1000x64xf32>
    %dot_general3A_5 = tpu.matmul %get3A_1, %get3A_4, %dot_general3A {dimension_numbers = #tpu.dot_dimension_numbers<[1], [1], [0], [0], [0, 0, 1, 0], [], []>, transpose_lhs_hint = false} : vector<1000x128xf32>, vector<64x128xf32>, vector<1000x64xf32> -> vector<1000x64xf32>
    %broadcast_in_dim3A = arith.constant 1.000000e+00 : f32
    %broadcast_in_dim3A_6 = vector.broadcast %broadcast_in_dim3A : f32 to vector<1000x16xf32>
    %concatenate3A = tpu.concatenate %dot_general3A_5, %broadcast_in_dim3A_6 in 1 : vector<1000x64xf32>, vector<1000x16xf32> -> vector<1000x80xf32>
    %swap3A = arith.constant 0 : index
    %swap3A_7 = arith.constant 0 : index
    %swap3A_8 = vector.load %arg3[%swap3A, %swap3A_7] : memref<1000x80xf32, #tpu.memory_space<vmem>>, vector<1000x80xf32>
    tpu.vector_store %arg3[%swap3A, %swap3A_7], %concatenate3A {strides = array<i32>} : memref<1000x80xf32, #tpu.memory_space<vmem>>, vector<1000x80xf32>,
    return
  }
  func.func @transform_0(%arg0: i32) -> (i32, i32) {
    %c0_i32 = arith.constant 0 : i32
    %c0_i32_0 = arith.constant 0 : i32
    return %arg0, %c0_i32 : i32, i32
  }
  func.func @transform_1(%arg0: i32) -> (i32, i32) {
    %c0_i32 = arith.constant 0 : i32
    %c0_i32_0 = arith.constant 0 : i32
    %c0_i32_1 = arith.constant 0 : i32
    return %c0_i32, %c0_i32_0 : i32, i32
  }
  func.func @transform_2(%arg0: i32) -> (i32, i32) {
    %c0_i32 = arith.constant 0 : i32
    %c0_i32_0 = arith.constant 0 : i32
    return %arg0, %c0_i32 : i32, i32
  }
}

module attributes {stable_mosaic.version = 14 : i64} {
  func.func @_pre_r_body(%arg0: i32, %arg1: memref<1000x128xf32, #tpu.memory_space<vmem>>, %arg2: memref<64x128xf32, #tpu.memory_space<vmem>>, %arg3: memref<8x64xf32, #tpu.memory_space<vmem>>, %arg4: memref<1000x64xf32, #tpu.memory_space<vmem>>) attributes {dimension_semantics = [#tpu.dimension_semantics<arbitrary>], iteration_bounds = array<i64: 10>, scalar_prefetch = 0 : i64, scratch_operands = 0 : i64, tpu.core_type = #tpu.core_type<tc>, window_params = [{transform_indices = @transform_0, window_bounds = array<i64: 1000, 128>}, {pipeline_mode = #tpu.pipeline_mode<synchronous>, transform_indices = @transform_1, window_bounds = array<i64: 64, 128>}, {pipeline_mode = #tpu.pipeline_mode<synchronous>, transform_indices = @transform_2, window_bounds = array<i64: 8, 64>}, {transform_indices = @transform_3, window_bounds = array<i64: 1000, 64>}]} {
    %get3A = arith.constant 0 : index
    %get3A_0 = arith.constant 0 : index
    %get3A_1 = vector.load %arg1[%get3A, %get3A_0] : memref<1000x128xf32, #tpu.memory_space<vmem>>, vector<1000x128xf32>
    %get3A_2 = arith.constant 0 : index
    %get3A_3 = arith.constant 0 : index
    %get3A_4 = vector.load %arg2[%get3A_2, %get3A_3] : memref<64x128xf32, #tpu.memory_space<vmem>>, vector<64x128xf32>
    %dot_general3A = arith.constant dense<0.000000e+00> : vector<1000x64xf32>
    %dot_general3A_5 = tpu.matmul %get3A_1, %get3A_4, %dot_general3A {dimension_numbers = #tpu.dot_dimension_numbers<[1], [1], [0], [0], [0, 0, 1, 0], [], []>, transpose_lhs_hint = false} : vector<1000x128xf32>, vector<64x128xf32>, vector<1000x64xf32> -> vector<1000x64xf32>
    %get3A_6 = arith.constant 0 : index
    %get3A_7 = arith.constant 0 : index
    %get3A_8 = vector.load %arg3[%get3A_6, %get3A_7] : memref<8x64xf32, #tpu.memory_space<vmem>>, vector<1x64xf32>
    %add3A = vector.broadcast %get3A_8 : vector<1x64xf32> to vector<1000x64xf32>
    %add3A_9 = arith.addf %dot_general3A_5, %add3A : vector<1000x64xf32>
    %swap3A = arith.constant 0 : index
    %swap3A_10 = arith.constant 0 : index
    %swap3A_11 = vector.load %arg4[%swap3A, %swap3A_10] : memref<1000x64xf32, #tpu.memory_space<vmem>>, vector<1000x64xf32>
    tpu.vector_store %arg4[%swap3A, %swap3A_10], %add3A_9 {strides = array<i32>} : memref<1000x64xf32, #tpu.memory_space<vmem>>, vector<1000x64xf32>,
    return
  }
  func.func @transform_0(%arg0: i32) -> (i32, i32) {
    %c0_i32 = arith.constant 0 : i32
    %c0_i32_0 = arith.constant 0 : i32
    return %arg0, %c0_i32 : i32, i32
  }
  func.func @transform_1(%arg0: i32) -> (i32, i32) {
    %c0_i32 = arith.constant 0 : i32
    %c0_i32_0 = arith.constant 0 : i32
    %c0_i32_1 = arith.constant 0 : i32
    return %c0_i32, %c0_i32_0 : i32, i32
  }
  func.func @transform_2(%arg0: i32) -> (i32, i32) {
    %c0_i32 = arith.constant 0 : i32
    %c0_i32_0 = arith.constant 0 : i32
    %c0_i32_1 = arith.constant 0 : i32
    return %c0_i32, %c0_i32_0 : i32, i32
  }
  func.func @transform_3(%arg0: i32) -> (i32, i32) {
    %c0_i32 = arith.constant 0 : i32
    %c0_i32_0 = arith.constant 0 : i32
    return %arg0, %c0_i32 : i32, i32
  }
}

module attributes {stable_mosaic.version = 14 : i64} {
  func.func @_mid_body(%arg0: i32, %arg1: memref<1000x128xf32, #tpu.memory_space<vmem>>, %arg2: memref<1000x128xf32, #tpu.memory_space<vmem>>, %arg3: memref<1000x64xf32, #tpu.memory_space<vmem>>, %arg4: memref<64x64xf32, #tpu.memory_space<vmem>>, %arg5: memref<64x64xf32, #tpu.memory_space<vmem>>, %arg6: memref<8x64xf32, #tpu.memory_space<vmem>>, %arg7: memref<1000x64xf32, #tpu.memory_space<vmem>>, %arg8: memref<1000x80xf32, #tpu.memory_space<vmem>>) attributes {dimension_semantics = [#tpu.dimension_semantics<arbitrary>], iteration_bounds = array<i64: 10>, scalar_prefetch = 0 : i64, scratch_operands = 0 : i64, tpu.core_type = #tpu.core_type<tc>, window_params = [{transform_indices = @transform_0, window_bounds = array<i64: 1000, 128>}, {transform_indices = @transform_1, window_bounds = array<i64: 1000, 128>}, {transform_indices = @transform_2, window_bounds = array<i64: 1000, 64>}, {pipeline_mode = #tpu.pipeline_mode<synchronous>, transform_indices = @transform_3, window_bounds = array<i64: 64, 64>}, {pipeline_mode = #tpu.pipeline_mode<synchronous>, transform_indices = @transform_4, window_bounds = array<i64: 64, 64>}, {pipeline_mode = #tpu.pipeline_mode<synchronous>, transform_indices = @transform_5, window_bounds = array<i64: 8, 64>}, {transform_indices = @transform_6, window_bounds = array<i64: 1000, 64>}, {transform_indices = @transform_7, window_bounds = array<i64: 1000, 80>}]} {
    %get3A = arith.constant 0 : index
    %get3A_0 = arith.constant 0 : index
    %get3A_1 = vector.load %arg1[%get3A, %get3A_0] : memref<1000x128xf32, #tpu.memory_space<vmem>>, vector<1000x128xf32>
    %get3A_2 = arith.constant 0 : index
    %get3A_3 = arith.constant 0 : index
    %get3A_4 = vector.load %arg2[%get3A_2, %get3A_3] : memref<1000x128xf32, #tpu.memory_space<vmem>>, vector<1000x128xf32>
    %slice3A = vector.extract_strided_slice %get3A_4 {offsets = [0, 0], sizes = [1000, 1], strides = [1, 1]} : vector<1000x128xf32> to vector<1000x1xf32>
    %slice3A_5 = vector.extract_strided_slice %get3A_4 {offsets = [0, 16], sizes = [1000, 1], strides = [1, 1]} : vector<1000x128xf32> to vector<1000x1xf32>
    %add3A = arith.addf %slice3A, %slice3A_5 : vector<1000x1xf32>
    %max3A = arith.constant 1.000000e+00 : f32
    %max3A_6 = vector.broadcast %max3A : f32 to vector<1000x1xf32>
    %max3A_7 = arith.maximumf %add3A, %max3A_6 : vector<1000x1xf32>
    %div3A = arith.constant 1.000000e+00 : f32
    %div3A_8 = vector.broadcast %div3A : f32 to vector<1000x1xf32>
    %div3A_9 = arith.divf %div3A_8, %max3A_7 : vector<1000x1xf32>
    %slice3A_10 = vector.extract_strided_slice %get3A_1 {offsets = [0, 0], sizes = [1000, 64], strides = [1, 1]} : vector<1000x128xf32> to vector<1000x64xf32>
    %slice3A_11 = vector.extract_strided_slice %get3A_1 {offsets = [0, 64], sizes = [1000, 64], strides = [1, 1]} : vector<1000x128xf32> to vector<1000x64xf32>
    %add3A_12 = arith.addf %slice3A_10, %slice3A_11 : vector<1000x64xf32>
    %mul3A = vector.broadcast %div3A_9 : vector<1000x1xf32> to vector<1000x64xf32>
    %mul3A_13 = arith.mulf %add3A_12, %mul3A : vector<1000x64xf32>
    %get3A_14 = arith.constant 0 : index
    %get3A_15 = arith.constant 0 : index
    %get3A_16 = vector.load %arg3[%get3A_14, %get3A_15] : memref<1000x64xf32, #tpu.memory_space<vmem>>, vector<1000x64xf32>
    %add3A_17 = arith.addf %mul3A_13, %get3A_16 : vector<1000x64xf32>
    %max3A_18 = arith.constant 0.000000e+00 : f32
    %max3A_19 = vector.broadcast %max3A_18 : f32 to vector<1000x64xf32>
    %max3A_20 = arith.maximumf %add3A_17, %max3A_19 : vector<1000x64xf32>
    %get3A_21 = arith.constant 0 : index
    %get3A_22 = arith.constant 0 : index
    %get3A_23 = vector.load %arg4[%get3A_21, %get3A_22] : memref<64x64xf32, #tpu.memory_space<vmem>>, vector<64x64xf32>
    %dot_general3A = arith.constant dense<0.000000e+00> : vector<1000x64xf32>
    %dot_general3A_24 = tpu.matmul %max3A_20, %get3A_23, %dot_general3A {dimension_numbers = #tpu.dot_dimension_numbers<[1], [1], [0], [0], [0, 0, 1, 0], [], []>, transpose_lhs_hint = false} : vector<1000x64xf32>, vector<64x64xf32>, vector<1000x64xf32> -> vector<1000x64xf32>
    %swap3A = arith.constant 0 : index
    %swap3A_25 = arith.constant 0 : index
    %swap3A_26 = vector.load %arg7[%swap3A, %swap3A_25] : memref<1000x64xf32, #tpu.memory_space<vmem>>, vector<1000x64xf32>
    tpu.vector_store %arg7[%swap3A, %swap3A_25], %dot_general3A_24 {strides = array<i32>} : memref<1000x64xf32, #tpu.memory_space<vmem>>, vector<1000x64xf32>,
    %get3A_27 = arith.constant 0 : index
    %get3A_28 = arith.constant 0 : index
    %get3A_29 = vector.load %arg5[%get3A_27, %get3A_28] : memref<64x64xf32, #tpu.memory_space<vmem>>, vector<64x64xf32>
    %dot_general3A_30 = arith.constant dense<0.000000e+00> : vector<1000x64xf32>
    %dot_general3A_31 = tpu.matmul %max3A_20, %get3A_29, %dot_general3A_30 {dimension_numbers = #tpu.dot_dimension_numbers<[1], [1], [0], [0], [0, 0, 1, 0], [], []>, transpose_lhs_hint = false} : vector<1000x64xf32>, vector<64x64xf32>, vector<1000x64xf32> -> vector<1000x64xf32>
    %get3A_32 = arith.constant 0 : index
    %get3A_33 = arith.constant 0 : index
    %get3A_34 = vector.load %arg6[%get3A_32, %get3A_33] : memref<8x64xf32, #tpu.memory_space<vmem>>, vector<1x64xf32>
    %add3A_35 = vector.broadcast %get3A_34 : vector<1x64xf32> to vector<1000x64xf32>
    %add3A_36 = arith.addf %dot_general3A_31, %add3A_35 : vector<1000x64xf32>
    %broadcast_in_dim3A = vector.shape_cast %div3A_9 : vector<1000x1xf32> to vector<1000x1xf32>
    %broadcast_in_dim3A_37 = vector.broadcast %broadcast_in_dim3A : vector<1000x1xf32> to vector<1000x16xf32>
    %concatenate3A = tpu.concatenate %add3A_36, %broadcast_in_dim3A_37 in 1 : vector<1000x64xf32>, vector<1000x16xf32> -> vector<1000x80xf32>
    %swap3A_38 = arith.constant 0 : index
    %swap3A_39 = arith.constant 0 : index
    %swap3A_40 = vector.load %arg8[%swap3A_38, %swap3A_39] : memref<1000x80xf32, #tpu.memory_space<vmem>>, vector<1000x80xf32>
    tpu.vector_store %arg8[%swap3A_38, %swap3A_39], %concatenate3A {strides = array<i32>} : memref<1000x80xf32, #tpu.memory_space<vmem>>, vector<1000x80xf32>,
    return
  }
  func.func @transform_0(%arg0: i32) -> (i32, i32) {
    %c0_i32 = arith.constant 0 : i32
    %c0_i32_0 = arith.constant 0 : i32
    return %arg0, %c0_i32 : i32, i32
  }
  func.func @transform_1(%arg0: i32) -> (i32, i32) {
    %c0_i32 = arith.constant 0 : i32
    %c0_i32_0 = arith.constant 0 : i32
    return %arg0, %c0_i32 : i32, i32
  }
  func.func @transform_2(%arg0: i32) -> (i32, i32) {
    %c0_i32 = arith.constant 0 : i32
    %c0_i32_0 = arith.constant 0 : i32
    return %arg0, %c0_i32 : i32, i32
  }
  func.func @transform_3(%arg0: i32) -> (i32, i32) {
    %c0_i32 = arith.constant 0 : i32
    %c0_i32_0 = arith.constant 0 : i32
    %c0_i32_1 = arith.constant 0 : i32
    return %c0_i32, %c0_i32_0 : i32, i32
  }
  func.func @transform_4(%arg0: i32) -> (i32, i32) {
    %c0_i32 = arith.constant 0 : i32
    %c0_i32_0 = arith.constant 0 : i32
    %c0_i32_1 = arith.constant 0 : i32
    return %c0_i32, %c0_i32_0 : i32, i32
  }
  func.func @transform_5(%arg0: i32) -> (i32, i32) {
    %c0_i32 = arith.constant 0 : i32
    %c0_i32_0 = arith.constant 0 : i32
    %c0_i32_1 = arith.constant 0 : i32
    return %c0_i32, %c0_i32_0 : i32, i32
  }
  func.func @transform_6(%arg0: i32) -> (i32, i32) {
    %c0_i32 = arith.constant 0 : i32
    %c0_i32_0 = arith.constant 0 : i32
    return %arg0, %c0_i32 : i32, i32
  }
  func.func @transform_7(%arg0: i32) -> (i32, i32) {
    %c0_i32 = arith.constant 0 : i32
    %c0_i32_0 = arith.constant 0 : i32
    return %arg0, %c0_i32 : i32, i32
  }
}

module attributes {stable_mosaic.version = 14 : i64} {
  func.func @_pool_body(%arg0: i32, %arg1: memref<1000x128xf32, #tpu.memory_space<vmem>>, %arg2: memref<1000x80xf32, #tpu.memory_space<vmem>>, %arg3: memref<1x1x1000xi32, #tpu.memory_space<vmem>>, %arg4: memref<64x128xf32, #tpu.memory_space<vmem>>) attributes {dimension_semantics = [#tpu.dimension_semantics<arbitrary>], iteration_bounds = array<i64: 10>, scalar_prefetch = 0 : i64, scratch_operands = 0 : i64, tpu.core_type = #tpu.core_type<tc>, window_params = [{transform_indices = @transform_0, window_bounds = array<i64: 1000, 128>}, {transform_indices = @transform_1, window_bounds = array<i64: 1000, 80>}, {transform_indices = @transform_2, window_bounds = array<i64: 1, 1, 1000>}, {pipeline_mode = #tpu.pipeline_mode<synchronous>, transform_indices = @transform_3, window_bounds = array<i64: 64, 128>}]} {
    %get3A = arith.constant 0 : index
    %get3A_0 = arith.constant 0 : index
    %get3A_1 = vector.load %arg1[%get3A, %get3A_0] : memref<1000x128xf32, #tpu.memory_space<vmem>>, vector<1000x128xf32>
    %get3A_2 = arith.constant 0 : index
    %get3A_3 = arith.constant 0 : index
    %get3A_4 = vector.load %arg2[%get3A_2, %get3A_3] : memref<1000x80xf32, #tpu.memory_space<vmem>>, vector<1000x80xf32>
    %slice3A = vector.extract_strided_slice %get3A_1 {offsets = [0, 0], sizes = [1000, 64], strides = [1, 1]} : vector<1000x128xf32> to vector<1000x64xf32>
    %slice3A_5 = vector.extract_strided_slice %get3A_1 {offsets = [0, 64], sizes = [1000, 64], strides = [1, 1]} : vector<1000x128xf32> to vector<1000x64xf32>
    %add3A = arith.addf %slice3A, %slice3A_5 : vector<1000x64xf32>
    %slice3A_6 = vector.extract_strided_slice %get3A_4 {offsets = [0, 64], sizes = [1000, 1], strides = [1, 1]} : vector<1000x80xf32> to vector<1000x1xf32>
    %mul3A = vector.broadcast %slice3A_6 : vector<1000x1xf32> to vector<1000x64xf32>
    %mul3A_7 = arith.mulf %add3A, %mul3A : vector<1000x64xf32>
    %slice3A_8 = vector.extract_strided_slice %get3A_4 {offsets = [0, 0], sizes = [1000, 64], strides = [1, 1]} : vector<1000x80xf32> to vector<1000x64xf32>
    %add3A_9 = arith.addf %mul3A_7, %slice3A_8 : vector<1000x64xf32>
    %get3A_10 = arith.constant 0 : index
    %get3A_11 = arith.constant 0 : index
    %get3A_12 = arith.constant 0 : index
    %get3A_13 = vector.load %arg3[%get3A_10, %get3A_11, %get3A_12] : memref<1x1x1000xi32, #tpu.memory_space<vmem>>, vector<1x1x1000xi32>
    %get3A_14 = vector.shape_cast %get3A_13 : vector<1x1x1000xi32> to vector<1000xi32>
    %broadcast_in_dim3A = vector.shape_cast %get3A_14 : vector<1000xi32> to vector<1000x1xi32>
    %iota3A = tpu.iota {dimensions = array<i32: 1>} : vector<1x64xi32>
    %eq3A = vector.broadcast %broadcast_in_dim3A : vector<1000x1xi32> to vector<1000x64xi32>
    %eq3A_15 = vector.broadcast %iota3A : vector<1x64xi32> to vector<1000x64xi32>
    %eq3A_16 = arith.cmpi eq, %eq3A, %eq3A_15 : vector<1000x64xi32>
    %convert_element_type3A = arith.extui %eq3A_16 : vector<1000x64xi1> to vector<1000x64xi32>
    %convert_element_type3A_17 = arith.sitofp %convert_element_type3A : vector<1000x64xi32> to vector<1000x64xf32>
    %broadcast_in_dim3A_18 = arith.constant 1.000000e+00 : f32
    %broadcast_in_dim3A_19 = vector.broadcast %broadcast_in_dim3A_18 : f32 to vector<1000x64xf32>
    %concatenate3A = tpu.concatenate %add3A_9, %broadcast_in_dim3A_19 in 1 : vector<1000x64xf32>, vector<1000x64xf32> -> vector<1000x128xf32>
    %dot_general3A = arith.constant dense<0.000000e+00> : vector<64x128xf32>
    %dot_general3A_20 = tpu.matmul %convert_element_type3A_17, %concatenate3A, %dot_general3A {dimension_numbers = #tpu.dot_dimension_numbers<[0], [0], [1], [1], [0, 1, 1, 1], [], []>, transpose_lhs_hint = false} : vector<1000x64xf32>, vector<1000x128xf32>, vector<64x128xf32> -> vector<64x128xf32>
    %eq3A_21 = arith.constant 0 : i32
    %eq3A_22 = arith.cmpi eq, %arg0, %eq3A_21 : i32
    %convert_element_type3A_23 = arith.extui %eq3A_22 : i1 to i32
    %cond3A = arith.constant 0 : i32
    %cond3A_24 = arith.cmpi ne, %convert_element_type3A_23, %cond3A : i32
    scf.if %cond3A_24 {
      %swap3A = arith.constant 0 : index
      %swap3A_34 = arith.constant 0 : index
      %swap3A_35 = vector.load %arg4[%swap3A, %swap3A_34] : memref<64x128xf32, #tpu.memory_space<vmem>>, vector<64x128xf32>
      tpu.vector_store %arg4[%swap3A, %swap3A_34], %dot_general3A_20 {strides = array<i32>} : memref<64x128xf32, #tpu.memory_space<vmem>>, vector<64x128xf32>,
    } else {
    }
    %gt3A = arith.constant 0 : i32
    %gt3A_25 = arith.cmpi sgt, %arg0, %gt3A : i32
    %convert_element_type3A_26 = arith.extui %gt3A_25 : i1 to i32
    %cond3A_27 = arith.constant 0 : i32
    %cond3A_28 = arith.cmpi ne, %convert_element_type3A_26, %cond3A_27 : i32
    scf.if %cond3A_28 {
      %get3A_34 = arith.constant 0 : index
      %get3A_35 = arith.constant 0 : index
      %get3A_36 = vector.load %arg4[%get3A_34, %get3A_35] : memref<64x128xf32, #tpu.memory_space<vmem>>, vector<64x128xf32>
      %add3A_37 = arith.addf %get3A_36, %dot_general3A_20 : vector<64x128xf32>
      %swap3A = arith.constant 0 : index
      %swap3A_38 = arith.constant 0 : index
      %swap3A_39 = vector.load %arg4[%swap3A, %swap3A_38] : memref<64x128xf32, #tpu.memory_space<vmem>>, vector<64x128xf32>
      tpu.vector_store %arg4[%swap3A, %swap3A_38], %add3A_37 {strides = array<i32>} : memref<64x128xf32, #tpu.memory_space<vmem>>, vector<64x128xf32>,
    } else {
    }
    %eq3A_29 = arith.constant 9 : i32
    %eq3A_30 = arith.cmpi eq, %arg0, %eq3A_29 : i32
    %convert_element_type3A_31 = arith.extui %eq3A_30 : i1 to i32
    %cond3A_32 = arith.constant 0 : i32
    %cond3A_33 = arith.cmpi ne, %convert_element_type3A_31, %cond3A_32 : i32
    scf.if %cond3A_33 {
      %get3A_34 = arith.constant 0 : index
      %get3A_35 = arith.constant 0 : index
      %get3A_36 = vector.load %arg4[%get3A_34, %get3A_35] : memref<64x128xf32, #tpu.memory_space<vmem>>, vector<64x128xf32>
      %slice3A_37 = vector.extract_strided_slice %get3A_36 {offsets = [0, 64], sizes = [64, 1], strides = [1, 1]} : vector<64x128xf32> to vector<64x1xf32>
      %max3A = arith.constant 1.000000e+00 : f32
      %max3A_38 = vector.broadcast %max3A : f32 to vector<64x1xf32>
      %max3A_39 = arith.maximumf %slice3A_37, %max3A_38 : vector<64x1xf32>
      %div3A = vector.broadcast %max3A_39 : vector<64x1xf32> to vector<64x128xf32>
      %div3A_40 = arith.divf %get3A_36, %div3A : vector<64x128xf32>
      %swap3A = arith.constant 0 : index
      %swap3A_41 = arith.constant 0 : index
      %swap3A_42 = vector.load %arg4[%swap3A, %swap3A_41] : memref<64x128xf32, #tpu.memory_space<vmem>>, vector<64x128xf32>
      tpu.vector_store %arg4[%swap3A, %swap3A_41], %div3A_40 {strides = array<i32>} : memref<64x128xf32, #tpu.memory_space<vmem>>, vector<64x128xf32>,
    } else {
    }
    return
  }
  func.func @transform_0(%arg0: i32) -> (i32, i32) {
    %c0_i32 = arith.constant 0 : i32
    %c0_i32_0 = arith.constant 0 : i32
    return %arg0, %c0_i32 : i32, i32
  }
  func.func @transform_1(%arg0: i32) -> (i32, i32) {
    %c0_i32 = arith.constant 0 : i32
    %c0_i32_0 = arith.constant 0 : i32
    return %arg0, %c0_i32 : i32, i32
  }
  func.func @transform_2(%arg0: i32) -> (i32, i32, i32) {
    %c0_i32 = arith.constant 0 : i32
    %c0_i32_0 = arith.constant 0 : i32
    %c0_i32_1 = arith.constant 0 : i32
    return %arg0, %c0_i32, %c0_i32_0 : i32, i32, i32
  }
  func.func @transform_3(%arg0: i32) -> (i32, i32) {
    %c0_i32 = arith.constant 0 : i32
    %c0_i32_0 = arith.constant 0 : i32
    %c0_i32_1 = arith.constant 0 : i32
    return %c0_i32, %c0_i32_0 : i32, i32
  }
}

</mosaic_0001>

<sc_bundles>
// kernel: edge_agg_w64.3.cloned.1.call-start
scs
__scs_entry_jumppad:
0x0: {  	(pc) =	sbr.rel $0x88, $3  }
0x1: {  	(tag) =	ssettag $0x0;
	lr =	simm.s32 $0x1  }
0x2: {  	[smem:$0x3F98] =	sst lr;
	_ =	strace $0xD0000000  }
0x3: {  	_ = 	snop  }
0x4: {  	_ = 	snop  }
0x5: {  	_ = 	snop  }
0x6: {  	_ = 	snop  }
0x7: {  	_ = 	snop  }
__scs_overlays_trampoline_lowered:
0x8: {  	[smem:$0x3FA7] =	sst s0  }
0x9: {  	[smem:$0x3FA8] =	sst s1  }
0xa: {  	[smem:$0x3FA9] =	sst s2  }
0xb: {  	[smem:$0x3FAA] =	sst s3  }
0xc: {  	[smem:$0x3FAB] =	sst s4  }
0xd: {  	[smem:$0x3FAC] =	sst s5  }
0xe: {  	[smem:$0x3FAD] =	sst s6  }
0xf: {  	[smem:$0x3FAE] =	sst s7  }
0x10: {  	[smem:$0x3FAF] =	sst s8  }
0x11: {  	[smem:$0x3FB0] =	sst s9;
	s0 =	simm.s32 @!p0 $0x0  }
0x12: {  	s1 =	sld [smem:$0x3F96];
	s0 =	simm.s32 @p0 $0x1  }
0x13: {  	[smem:$0x3FB1] =	sst s0;
	s0 =	simm.s32 @!p1 $0x0  }
0x14: {  	s2 =	sld [smem:$0x3F95];
	s0 =	simm.s32 @p1 $0x1  }
0x15: {  	[smem:$0x3FB2] =	sst s0;
	s0 =	simm.s32 @!p2 $0x0  }
0x16: {  	s3 =	sld [smem:$0x3FDB];
	s0 =	simm.s32 @p2 $0x1  }
0x17: {  	s4 =	simm.s32 $0x1BF5;
	[smem:$0x3FB4] =	sst s0  }
0x18: {  	s0 =	sld [smem:$0x3F97];
	_ =	swait.ge [sflag:s4], $0x0  }
0x19: {  	s7 =	sld [smem:$0x3F98]  }
0x1a: {  	s8 =	sadd.s32 $0xFFFFE003, lr  }
0x1b: {  	s9 =	sadd.s32 $0xFFFFFEF7, lr;
	s5 =	simm.s32 $0xFFFFFFFF;
	p2 =	slt.u32 s8, $0xFFFFF086  }
0x1c: {  	p1 =	slt.u32 s9, $0xF7A;
	s5 =	simm.s32 @!p2 $0x0  }
0x1d: {  	s5 =	simm.s32 @p1 $0x1;
	p0 =	seq.s32 s7, s2  }
0x1e: {  	s7 =	smul.u32 @!p0 $0xF7A, s2;
	p2 =	seq.s32 @!p0 s5, $0x0  }
0x1f: {  	s9 =	smul.u32 $0xF7A, s1;
	s8 =	simm.s32 @!p0 $0x1BF5;
	p2 =	por !p2, p0  }
0x20: {  	[sflag:s8] =	ssyncset.s32 @!p0 $0xFFFFF086;
	s6 =	sadd.s32 @!p0 s3, s7;
	s7 =	simm.s32 @!p0 $0x108  }
0x21: {  	s3 =	sadd.s32 s3, s9;
	s6 =	sadd.s32 @!p0 $0x88, s6;
	s7 =	simm.s32 @p2 $0x1082  }
0x22: {  	[simem:s7], [sflag:s8] =	dma.local @!p0 [hbm:s6], $0xF7A  }
0x23: {  	s9 =	sor.u32 $0xD0000000, s2;
	s6 =	simm.s32 $0x108;
	_ =	swait.ge @!p0 [sflag:s8], $0x0  }
0x24: {  	s3 =	sadd.s32 $0x88, s3;
	s6 =	simm.s32 @!p1 $0x1082;
	[sflag:s4] =	ssyncset.s32 $0xFFFFF086  }
0x25: {  	[simem:s6], [sflag:s4] =	dma.local [hbm:s3], $0xF7A  }
0x26: {  	[smem:$0x3F98] =	sst s1;
	(tag) =	ssettag s2;
	_ =	strace s9  }
0x27: {  	s1 =	sld [smem:$0x3FA8]  }
0x28: {  	s2 =	sld [smem:$0x3FA9]  }
0x29: {  	s4 =	sld [smem:$0x3FAB]  }
0x2a: {  	p0 =	seq.s32 s5, $0x0;
	s5 =	sld [smem:$0x3FAC]  }
0x2b: {  	s6 =	sld [smem:$0x3FAD]  }
0x2c: {  	s7 =	sld [smem:$0x3FAE]  }
0x2d: {  	s3 =	simm.s32 $0x108;
	s8 =	sld [smem:$0x3FAF]  }
0x2e: {  	s3 =	simm.s32 @!p0 $0x1082;
	s9 =	sld [smem:$0x3FB0]  }
0x2f: {  	lr =	sadd.s32 s0, s3;
	s0 =	sld [smem:$0x3FA7]  }
0x30: {  	s3 =	sld [smem:$0x3FAA]  }
0x31: {  	[smem:$0x3FB3] =	sst s10  }
0x32: {  	s10 =	sld [smem:$0x3FB1];
	_ =	sdelay $0x3  }
0x33: {  	p0 =	seq.s32 s10, $0x1;
	s10 =	sld [smem:$0x3FB3];
	_ =	sdelay $0x3  }
0x34: {  	[smem:$0x3FB3] =	sst s10  }
0x35: {  	s10 =	sld [smem:$0x3FB2];
	_ =	sdelay $0x3  }
0x36: {  	p1 =	seq.s32 s10, $0x1;
	s10 =	sld [smem:$0x3FB3];
	_ =	sdelay $0x3  }
0x37: {  	[smem:$0x3FB3] =	sst s10  }
0x38: {  	s10 =	sld [smem:$0x3FB4]  }
0x39: {  	_ = 	snop;
	(pc) =	sbr.ind lr, $3  }
0x3a: {  	_ = 	snop  }
0x3b: {  	_ = 	snop  }
0x3c: {  	p2 =	seq.s32 s10, $0x1;
	s10 =	sld [smem:$0x3FB3]  }
0x3d: {  	_ =	shalt  }
0x3e: {  	_ =	shalt  }
0x3f: {  	_ =	shalt  }
0x40: {  	_ =	shalt  }
0x41: {  	_ =	shalt  }
0x42: {  	_ =	shalt  }
0x43: {  	_ =	shalt  }
0x44: {  	_ =	shalt  }
0x45: {  	_ =	shalt  }
0x46: {  	_ =	shalt  }
0x47: {  	_ =	shalt  }
0x48: {  	_ =	shalt  }
0x49: {  	_ =	shalt  }
0x4a: {  	_ =	shalt  }
0x4b: {  	_ =	shalt  }
0x4c: {  	_ =	shalt  }
0x4d: {  	_ =	shalt  }
0x4e: {  	_ =	shalt  }
0x4f: {  	_ =	shalt  }
0x50: {  	_ =	shalt  }
0x51: {  	_ =	shalt  }
0x52: {  	_ =	shalt  }
0x53: {  	_ =	shalt  }
0x54: {  	_ =	shalt  }
0x55: {  	_ =	shalt  }
0x56: {  	_ =	shalt  }
0x57: {  	_ =	shalt  }
0x58: {  	_ =	shalt  }
0x59: {  	_ =	shalt  }
0x5a: {  	_ =	shalt  }
0x5b: {  	_ =	shalt  }
0x5c: {  	_ =	shalt  }
0x5d: {  	_ =	shalt  }
0x5e: {  	_ =	shalt  }
0x5f: {  	_ =	shalt  }
0x60: {  	_ =	shalt  }
0x61: {  	_ =	shalt  }
0x62: {  	_ =	shalt  }
0x63: {  	_ =	shalt  }
0x64: {  	_ =	shalt  }
0x65: {  	_ =	shalt  }
0x66: {  	_ =	shalt  }
0x67: {  	_ =	shalt  }
0x68: {  	_ =	shalt  }
0x69: {  	_ =	shalt  }
0x6a: {  	_ =	shalt  }
0x6b: {  	_ =	shalt  }
0x6c: {  	_ =	shalt  }
0x6d: {  	_ =	shalt  }
0x6e: {  	_ =	shalt  }
0x6f: {  	_ =	shalt  }
0x70: {  	_ =	shalt  }
0x71: {  	_ =	shalt  }
0x72: {  	_ =	shalt  }
0x73: {  	_ =	shalt  }
0x74: {  	_ =	shalt  }
0x75: {  	_ =	shalt  }
0x76: {  	_ =	shalt  }
0x77: {  	_ =	shalt  }
0x78: {  	_ =	shalt  }
0x79: {  	_ =	shalt  }
0x7a: {  	_ =	shalt  }
0x7b: {  	_ =	shalt  }
0x7c: {  	_ =	shalt  }
0x7d: {  	_ =	shalt  }
0x7e: {  	_ =	shalt  }
0x7f: {  	_ =	shalt  }
0x80: {  	_ =	shalt  }
0x81: {  	_ =	shalt  }
0x82: {  	_ =	shalt  }
0x83: {  	_ =	shalt  }
0x84: {  	_ =	shalt  }
0x85: {  	_ =	shalt  }
0x86: {  	_ =	shalt  }
0x87: {  	_ =	shalt  }
.Lfunc_end0:
.L_simem_size_0:
called_computation.1_lowered:
.L_overlay_start_0:
0x88: {  	s2 =	sld [smem:$0x3FD9]  }
0x89: {  	s3 =	sld [smem:$0x3FFE];
	_ =	sdelay $0x1  }
0x8a: {  	s1 =	srdreg.scid  }
0x8b: {  	s0 =	sand.u32 $0x1, s1  }
0x8c: {  	s16 =	sshll.u32 s0, $0xA;
	s2 =	sadd.s32 s3, s2  }
0x8d: {  	s2 =	sadd.s32 s2, s16  }
0x8e: {  	[smem:$0x3FBF] =	sst s2  }
0x8f: {  	_ = 	snop  }
0x90: {  	(tm) =	ssettm $0x1  }
0x91: {  	s17 =	sld [smem:$0x3FFB];
	_ =	sdelay $0x3  }
0x92: {  	_ =	strace s17  }
0x93: {  	s2 =	sld [smem:$0x3FFC];
	_ =	sdelay $0x3  }
0x94: {  	_ =	strace s2  }
0x95: {  	s2 =	sld [smem:$0x3FFD];
	_ =	sdelay $0x3  }
0x96: {  	_ =	strace s2  }
0x97: {  	_ =	strace $0x8FFFFFFF  }
0x98: {  	s18 =	sld [smem:$0x3FDB];
	_ =	sdelay $0x1  }
0x99: {  	s19 =	simm.s32 $_scs_section_size  }
0x9a: {  	s4 =	simm.s32 $_size__tile_overlayer_lowered;
	s5 =	simm.s32 $_tile_overlayer_lowered  }
0x9b: {  	s22 =	simm.s32 $0x1BFF;
	s21 =	sshll.u32 s5, $0x1;
	s2 =	sadd.s32 s19, s18  }
0x9c: {  	s6 =	simm.s32 $0x0;
	s20 =	sshll.u32 s4, $0x1;
	s4 =	sadd.s32 s21, s2  }
0x9d: {  	[timem:s6], [sflag:s22] =	dma.local [hbm:s4], s20  }
0x9e: {  	_ =	swait.ge [sflag:s22], s20  }
0x9f: {  	s3 =	ssub.s32 $0x0, s20;
	[sflag:s22] =	ssyncset.done $0x0  }
0xa0: {  	[sflag:s22] =	ssyncadd.s32 s3;
	_ =	sdelay $0x1  }
0xa1: {  	s23 =	simm.s32 $0x1B8B  }
0xa2: {  	_ =	swait.ge [sflag:s23], $0x1  }
0xa3: {  	[sflag:s23] =	ssyncset.done $0x0  }
0xa4: {  	s25 =	simm.s32 $0x1B8E;
	s24 =	sld [smem:$0x3FFE];
	[sflag:s23] =	ssyncadd.s32 $0xFFFFFFFF  }
0xa5: {  	s26 =	simm.s32 $execute0_lowered;
	[smem:$0x3FD2] =	sst s25  }
0xa6: {  	s4 =	sshll.u32 s26, $0x1;
	_ =	strace $0x80000049;
	[dreg:$0x1] =	wrdreg $0xFFFFFFFF  }
0xa7: {  	s28 =	simm.s32 $_size_execute0_lowered;
	s2 =	sadd.s32 s2, s4;
	[dreg:$0x0] =	wrdreg $0x0  }
0xa8: {  	s4 =	sshll.u32 s28, $0x1;
	[dreg:$0x2] =	wrdreg s2  }
0xa9: {  	[dreg:$0x3] =	wrdreg s4  }
0xaa: {  	[dreg:$0x4] =	wrdreg $0xC0  }
0xab: {  	_ =	task [dreg:s6], $0x5FFFF  }
0xac: {  	[dreg:$0x1] =	wrdreg $0xFFFFFFFF  }
0xad: {  	[dreg:$0x0] =	wrdreg $0x60  }
0xae: {  	[dreg:$0x2] =	wrdreg s24  }
0xaf: {  	[dreg:$0x3] =	wrdreg $0x10B800  }
0xb0: {  	[dreg:$0x4] =	wrdreg $0x9  }
0xb1: {  	_ =	task.clear_ibuf [dreg:s6], $0x5FFFF;
	_ =	strace $0x90000049  }
0xb2: {  	s29 =	simm.s32 $0x9;
	_ =	strace $0x8000004B  }
0xb3: {  	_ =	swait.ge [sflag:s29], $0x1  }
0xb4: {  	[sflag:s29] =	ssyncadd.s32 $0xFFFFFFFF  }
0xb5: {  	_ =	strace $0x9000004B  }
0xb6: {  	_ =	sfence  }
0xb7: {  	s30 =	sld [smem:$0x0];
	_ =	sdelay $0x2  }
0xb8: {  	s31 =	sshll.u32 s1, $0xD;
	s1 =	sshrl.u32 s1, $0x2  }
0xb9: {  	s3 =	sand.u32 $0x4000, s31;
	s1 =	sadd.s32 s1, s30  }
0xba: {  	s0 =	sor.u32 s3, s0;
	s1 =	sshll.u32 s1, $0x11  }
0xbb: {  	s0 =	sor.u32 s1, s0  }
0xbc: {  	s0 =	sadd.s32 $0x8F2B, s0  }
0xbd: {  	[sflag:s0] =	ssyncadd.remote.s32 $0x1  }
0xbe: {  	_ =	sfence.sel $0xFFFF  }
0xbf: {  	[dreg:$0x0] =	wrdreg $0xFFFFFFFF;
	(pc) =	sbr.abs _section_cstart, $3  }
0xc0: {  	[dreg:$0x1] =	wrdreg $0xFFFFFFFF  }
0xc1: {  	_ =	task.clear_ibuf [dreg:s6], $0x2FFFF;
	_ =	strace $0x9FFFFFFF  }
0xc2: {  	(tm) =	ssettm $0x7FFFFFFF  }
0xc3: {  	_ =	shalt  }
tec
execute0_lowered:
.L_overlay_start_1:
0x0: {  	(tag) =	ssettag $0x1  }
0x1: {  	s0 =	srdreg.scid  }
0x2: {  	s12 =	stileid.u32;
	s1 =	rddreg [dreg:$0x0]  }
0x3: {  	s2 =	rddreg [dreg:$0x1];
	s10 =	simm.s32 $0x3;
	s11 =	simm.s32 $0xFA  }
0x4: {  	s13 =	simm.s32 $0x100;
	s14 =	simm.s32 $0x8E80;
	s17 =	simm.s32 $0x1  }
0x5: {  	s18 =	simm.s32 $0x2;
	s19 =	simm.s32 $0x10;
	s20 =	simm.s32 $0x8  }
0x6: {  	s21 =	simm.s32 $0x0;
	s0 =	sand.u32 $0x1, s0;
	s6 =	smul.u32 $0x13880, s12  }
0x7: {  	s3 =	sshll.u32 s12, $0x1;
	s8 =	smul.u32 $0x27100, s12;
	s31 =	sshll.u32 s12, $0x6  }
0x8: {  	s4 =	sor.u32 s0, s3;
	s3 =	simm.s32 $0x0;
	s30 =	sshll.u32 s0, $0x6  }
0x9: {  	s0 =	ssub.s32 $0x2, s0;
	s15 =	sor.u32 $0x1C03, s31;
	s4 =	smul.u32 $0x2800, s4  }
0xa: {  	[smem:$0x7FF] =	sst s3;
	s6 =	sor.u32 s30, s6;
	s9 =	sshrl.u32 s0, $0x1  }
0xb: {  	s8 =	sshrl.u32 s8, $0x2;
	_ =	strace $0x8000004A;
	s6 =	sshrl.u32 s6, $0x3  }
0xc: {  	s0 =	ssub.s32 s0, s9;
	s16 =	sadd.s32 s8, s2;
	s5 =	sshrl.u32 s4, $0x3  }
0xd: {  	s4 =	sadd.s32 $0x2600, s1;
	s9 =	smax.u32 s0, $0x1;
	s16 =	sshrl.u32 s16, $0x3  }
0xe: {  	s7 =	sadd.s32 s5, s1;
	s5 =	sadd.s32 $0x16000, s1;
	s1 =	sadd.s32 s6, s1  }
0xf: {  	s6 =	sadd.s32 $0x1AE00, s7;
	s7 =	sadd.s32 $0x24E00, s7;
	s8 =	sadd.s32 $0x2EE00, s1  }
.LBB2_1:
0x10: {  	[tilespmem:s3], [sflag:$0x3] =	stream.linear.gather [hbm4b:s6+s3], $0x2800, $0x38;
	[tilespmem:$0x1A7C0] =	vst v63  }
0x11: {  	_ =	swait.ge [sflag:s10], $0x2800  }
0x12: {  	[sflag:s10] =	ssyncset.done $0x0  }
0x13: {  	s22 =	simm.s32 $0x2800;
	[sflag:s10] =	ssyncadd.s32 $0xFFFFD800  }
0x14: {  	[tilespmem:s22], [sflag:$0x3] =	stream.linear.gather [hbm4b:s7+s3], $0x2800, $0x38;
	[tilespmem:$0x1A7C0] =	vst v63  }
0x15: {  	_ =	swait.ge [sflag:s10], $0x2800  }
0x16: {  	s0 =	simm.s32 $0x5000;
	p0 =	por $0x0, $0x0;
	[sflag:s10] =	ssyncset.done $0x0  }
0x17: {  	s1 =	smul.u32 $0xAB, s3;
	s26 =	simm.s32 $0x200;
	[sflag:s10] =	ssyncadd.s32 $0xFFFFD800  }
0x18: {  	[tilespmem:s0], [sflag:$0x1] =	stream.indirect.gather [hbm4b:s4+s11], $0x40, s3, s11, $0xb8;
	[tilespmem:$0x1A7C0] =	vst v63  }
0x19: {  	s24 =	simm.s32 $0x1;
	s28 =	simm.s32 $0x2;
	s0 =	simm.s32 $0x2  }
0x1a: {  	s1 =	sshrl.u32 s1, $0x9;
	s0 =	smul.u32 @!p0 $0xAB, s0;
	p0 =	por p0, p0  }
0x1b: {  	[tilespmem:s14], [sflag:$0x1] =	stream.indirect.gather [hbm4b:s4+s11], $0x40, s13, s11, $0xb8;
	[tilespmem:$0x1A7C0] =	vst v63  }
0x1c: {  	[spmem:s16], [sflag:s15] =	dma.local [hbm:s5], $0x1388  }
0x1d: {  	s25 =	simm.s32 $0x300;
	s1 =	sand.u32 $0x7F, s1;
	s0 =	sshrl.u32 @!p0 s0, $0x9  }
0x1e: {  	p2 =	por $0x0, $0x0;
	s1 =	smul.u32 $0x3, s1;
	s0 =	sand.u32 @!p0 $0x7F, s0  }
0x1f: {  	s23 =	simm.s32 $0x2900;
	_ =	swait.ge [sflag:s10], $0x1388;
	s0 =	smul.u32 @!p0 $0x3, s0  }
0x20: {  	s1 =	ssub.s32 $0x0, s1;
	p1 =	por @!p0 $0x1, $0x1;
	[sflag:s10] =	ssyncset.done $0x0  }
0x21: {  	p1 =	por p1, p0;
	[sflag:s10] =	ssyncadd.s32 $0xFFFFEC78;
	s0 =	ssub.s32 @!p0 $0x2, s0  }
0x22: {  	s30 =	simm.s32 @!p1 $0x2;
	[bflag:$0x0] =	sbarrier.arrive $0xFFFF;
	s0 =	sand.u32 @!p0 $0xFF, s0  }
0x23: {  	s1 =	sand.u32 $0xFF, s1;
	_ =	swait.ge @!p1 [sflag:s30], $0x3E80;
	s0 =	smul.u32 @!p0 $0xFA00, s0  }
0x24: {  	s29 =	simm.s32 $0x3;
	s12 =	smul.u32 $0xFA00, s1;
	[sflag:s30] =	ssyncset.done @!p1 $0x0  }
0x25: {  	s31 =	smul.u32 @!p2 $0xAB, s29;
	[sflag:s30] =	ssyncadd.s32 @!p1 $0xFFFFC180;
	s0 =	sshrl.u32 @!p0 s0, $0x2  }
0x26: {  	s30 =	sshrl.u32 s12, $0x2;
	s1 =	sadd.s32 @!p0 $0x5000, s0;
	s0 =	simm.s32 @!p0 $0xFA  }
.LBB2_2:
0x27: {  	[tilespmem:s1], [sflag:$0x1] =	stream.indirect.gather @!p0 [hbm4b:s4+s0], $0x40, s26, s0, $0xb8;
	[tilespmem:$0x1A7C0] =	vst v63  }
0x28: {  	s0 =	smov.u32 s28  }
0x29: {  	s26 =	smov.u32 s25;
	s1 =	smov.u32 s22;
	p0 =	por p2, p2  }
0x2a: {  	s30 =	sadd.s32 $0x5000, s30;
	s12 =	sshrl.u32 @!p0 s31, $0x9;
	_ =	swait.ge [sflag:s17], $0x3E80  }
0x2b: {  	s22 =	smul.u32 $0xAB, s24;
	s12 =	sand.u32 @!p0 $0x7F, s12;
	[sflag:s17] =	ssyncset.done $0x0  }
0x2c: {  	s28 =	sadd.s32 $0x1, s28;
	s12 =	smul.u32 @!p0 $0x3, s12;
	[sflag:s17] =	ssyncadd.s32 $0xFFFFC180  }
0x2d: {  	p1 =	sne.s32 s28, $0x28;
	s31 =	sshrl.u32 s22, $0x9;
	s22 =	smov.u32 s23  }
0x2e: {  	p2 =	seq.s32 @!p0 s24, $0x0;
	s31 =	sand.u32 $0x7F, s31;
	s12 =	ssub.s32 @!p0 s29, s12  }
0x2f: {  	p3 =	por p2, p0;
	s29 =	smul.u32 $0x3, s31;
	s12 =	sand.u32 @!p0 $0xFF, s12  }
0x30: {  	s31 =	simm.s32 @!p3 $0x2;
	s12 =	smul.u32 @!p0 $0xFA00, s12  }
0x31: {  	s29 =	ssub.s32 s24, s29;
	s24 =	smov.u32 s0  }
0x32: {  	s0 =	sand.u32 $0xFF, s29;
	s12 =	sshrl.u32 @!p0 s12, $0x2  }
0x33: {  	[spmem:s2] =	stream.indirect.scatter.add.f32 [tilespmem:s30], [sflag:$0x2], $0x40, s1, s11, $0xb8;
	[tilespmem:$0x1A7C0] =	vst v63  }
.Ltmp0:
0x34: {  	_ = 	snop;
	(pc) =	sbr.rel @p1 .LBB2_2-.Ltmp0, $4  }
0x35: {  	s25 =	sadd.s32 $0x100, s25;
	s30 =	smul.u32 $0xFA00, s0;
	_ =	swait.ge @!p3 [sflag:s31], $0x3E80  }
0x36: {  	s23 =	sadd.s32 $0x100, s23;
	p2 =	sgt.u32 s24, $0x25;
	[sflag:s31] =	ssyncset.done @!p3 $0x0  }
0x37: {  	s29 =	sadd.s32 $0x2, s24;
	s1 =	sadd.s32 @!p0 $0x5000, s12;
	[sflag:s31] =	ssyncadd.s32 @!p3 $0xFFFFC180  }
0x38: {  	s0 =	simm.s32 @!p0 $0xFA;
	s30 =	sshrl.u32 s30, $0x2;
	s31 =	smul.u32 @!p2 $0xAB, s29  }
0x39: {  	[tilespmem:s1], [sflag:$0x1] =	stream.indirect.gather @!p0 [hbm4b:s4+s0], $0x40, s26, s0, $0xb8;
	[tilespmem:$0x1A7C0] =	vst v63  }
0x3a: {  	p0 =	por p2, p2  }
0x3b: {  	s28 =	smul.u32 $0xAB, s24;
	s0 =	sshrl.u32 @!p0 s31, $0x9;
	_ =	swait.ge [sflag:s17], $0x3E80  }
0x3c: {  	s12 =	sadd.s32 $0x5000, s30;
	s0 =	sand.u32 @!p0 $0x7F, s0;
	[sflag:s17] =	ssyncset.done $0x0  }
0x3d: {  	s1 =	sshrl.u32 s28, $0x9;
	s0 =	smul.u32 @!p0 $0x3, s0;
	[sflag:s17] =	ssyncadd.s32 $0xFFFFC180  }
0x3e: {  	[spmem:s2] =	stream.indirect.scatter.add.f32 [tilespmem:s12], [sflag:$0x2], $0x40, s22, s11, $0xb8;
	[tilespmem:$0x1A7C0] =	vst v63  }
0x3f: {  	p1 =	seq.s32 @!p0 s24, $0x0;
	s1 =	sand.u32 $0x7F, s1;
	s0 =	ssub.s32 @!p0 s29, s0  }
0x40: {  	p1 =	por p1, p0;
	s1 =	smul.u32 $0x3, s1;
	s0 =	sand.u32 @!p0 $0xFF, s0  }
0x41: {  	s26 =	simm.s32 @!p1 $0x2;
	s0 =	smul.u32 @!p0 $0xFA00, s0  }
0x42: {  	s12 =	simm.s32 @!p0 $0xFA;
	_ =	swait.ge @!p1 [sflag:s26], $0x3E80;
	s1 =	ssub.s32 s24, s1  }
0x43: {  	[sflag:s26] =	ssyncset.done @!p1 $0x0;
	s1 =	sand.u32 $0xFF, s1;
	s0 =	sshrl.u32 @!p0 s0, $0x2  }
0x44: {  	[sflag:s26] =	ssyncadd.s32 @!p1 $0xFFFFC180;
	s1 =	smul.u32 $0xFA00, s1;
	s0 =	sadd.s32 @!p0 $0x5000, s0  }
0x45: {  	[tilespmem:s0], [sflag:$0x1] =	stream.indirect.gather @!p0 [hbm4b:s4+s12], $0x40, s25, s12, $0xb8;
	[tilespmem:$0x1A7C0] =	vst v63  }
0x46: {  	_ =	swait.ge [sflag:s17], $0x3E80  }
0x47: {  	s31 =	sshrl.u32 s1, $0x2;
	[sflag:s17] =	ssyncset.done $0x0  }
0x48: {  	s0 =	sadd.s32 $0x5000, s31;
	[sflag:s17] =	ssyncadd.s32 $0xFFFFC180  }
0x49: {  	[spmem:s2] =	stream.indirect.scatter.add.f32 [tilespmem:s0], [sflag:$0x2], $0x40, s23, s11, $0xb8;
	[tilespmem:$0x1A7C0] =	vst v63  }
0x4a: {  	_ =	swait.ge [sflag:s18], $0x3E80  }
0x4b: {  	[sflag:s18] =	ssyncset.done $0x0  }
0x4c: {  	[sflag:s18] =	ssyncadd.s32 $0xFFFFC180  }
0x4d: {  	_ =	swait.ge [sflag:s18], $0x3E80  }
0x4e: {  	[sflag:s18] =	ssyncset.done $0x0  }
0x4f: {  	[sflag:s18] =	ssyncadd.s32 $0xFFFFC180  }
0x50: {  	_ =	swait.ge [sflag:s18], $0x3E80  }
0x51: {  	s21 =	sadd.s32 $0x1, s21;
	[sflag:s18] =	ssyncset.done $0x0  }
0x52: {  	p0 =	sne.s32 s21, s9;
	[sflag:s18] =	ssyncadd.s32 $0xFFFFC180  }
.Ltmp1:
0x53: {  	[bflag:$0x0] =	sbarrier.arrive $0xFFFF;
	(pc) =	sbr.rel @p0 .LBB2_1-.Ltmp1, $4  }
0x54: {  	[hbm:s8@s19], [sflag:s15] =	dma.strided [spmem:s16@s20], $0x1388, s17, $0x8   }
0x55: {  	_ =	swait.ge [sflag:s10], $0x1388  }
0x56: {  	[sflag:s10] =	ssyncset.done $0x0  }
0x57: {  	[sflag:s10] =	ssyncadd.s32 $0xFFFFEC78  }
0x58: {  	_ =	sfence.sel $0x180000  }
0x59: {  	[bflag:$0x0] =	sbarrier.arrive $0xFFFF  }
0x5a: {  	_ =	strace $0x9000004A  }
0x5b: {  	s0 =	stileid.u32;
	[bflag:$0x2] =	sbarrier.arrive $0xFFFF  }
0x5c: {  	p0 =	sne.s32 s0, $0x0;
	s0 =	rddreg [dreg:$0x2]  }
0x5d: {  	s0 =	sadd.s32 @!p0 $0x100000, s0  }
0x5e: {  	[sflag:s0] =	ssyncadd.tile.s32 @!p0 $0x1;
	_ =	shalt  }
.Lfunc_end2:
_tile_overlayer_lowered:
.L_overlay_start_2:
0x5f: {  	(tag) =	ssettag $0x2  }
0x60: {  	s0 =	rddreg [dreg:$0x0];
	s2 =	stileid.u32  }
0x61: {  	s1 =	rddreg [dreg:$0x1];
	p0 =	sne.s32 s2, $0x0  }
0x62: {  	s3 =	rddreg [dreg:$0x2];
	[bflag:$0x3] =	sbarrier.arrive $0xFFFF;
	s2 =	simm.s32 @!p0 $0x1C03  }
0x63: {  	[timem:s3], [sflag:s2] =	dma.local @!p0 [hbm:s0], s1  }
0x64: {  	s0 =	simm.s32 @!p0 $0x3  }
0x65: {  	_ =	swait.ge @!p0 [sflag:s0], s1  }
0x66: {  	s1 =	ssub.s32 @!p0 $0x0, s1;
	[sflag:s0] =	ssyncset.done @!p0 $0x0  }
0x67: {  	[sflag:s0] =	ssyncadd.s32 @!p0 s1  }
0x68: {  	[bflag:$0x3] =	sbarrier.arrive $0xFFFF  }
0x69: {  	_ =	shalt  }

// kernel: edge_agg_w80.3.cloned.1.call-start
scs
__scs_entry_jumppad:
0x0: {  	(pc) =	sbr.rel $0x88, $3  }
0x1: {  	(tag) =	ssettag $0x0;
	lr =	simm.s32 $0x1  }
0x2: {  	[smem:$0x3F98] =	sst lr;
	_ =	strace $0xD0000000  }
0x3: {  	_ = 	snop  }
0x4: {  	_ = 	snop  }
0x5: {  	_ = 	snop  }
0x6: {  	_ = 	snop  }
0x7: {  	_ = 	snop  }
__scs_overlays_trampoline_lowered:
0x8: {  	[smem:$0x3FA7] =	sst s0  }
0x9: {  	[smem:$0x3FA8] =	sst s1  }
0xa: {  	[smem:$0x3FA9] =	sst s2  }
0xb: {  	[smem:$0x3FAA] =	sst s3  }
0xc: {  	[smem:$0x3FAB] =	sst s4  }
0xd: {  	[smem:$0x3FAC] =	sst s5  }
0xe: {  	[smem:$0x3FAD] =	sst s6  }
0xf: {  	[smem:$0x3FAE] =	sst s7  }
0x10: {  	[smem:$0x3FAF] =	sst s8  }
0x11: {  	[smem:$0x3FB0] =	sst s9;
	s0 =	simm.s32 @!p0 $0x0  }
0x12: {  	s1 =	sld [smem:$0x3F96];
	s0 =	simm.s32 @p0 $0x1  }
0x13: {  	[smem:$0x3FB1] =	sst s0;
	s0 =	simm.s32 @!p1 $0x0  }
0x14: {  	s2 =	sld [smem:$0x3F95];
	s0 =	simm.s32 @p1 $0x1  }
0x15: {  	[smem:$0x3FB2] =	sst s0;
	s0 =	simm.s32 @!p2 $0x0  }
0x16: {  	s3 =	sld [smem:$0x3FDB];
	s0 =	simm.s32 @p2 $0x1  }
0x17: {  	s4 =	simm.s32 $0x1BF5;
	[smem:$0x3FB4] =	sst s0  }
0x18: {  	s0 =	sld [smem:$0x3F97];
	_ =	swait.ge [sflag:s4], $0x0  }
0x19: {  	s7 =	sld [smem:$0x3F98]  }
0x1a: {  	s8 =	sadd.s32 $0xFFFFE003, lr  }
0x1b: {  	s9 =	sadd.s32 $0xFFFFFEF7, lr;
	s5 =	simm.s32 $0xFFFFFFFF;
	p2 =	slt.u32 s8, $0xFFFFF086  }
0x1c: {  	p1 =	slt.u32 s9, $0xF7A;
	s5 =	simm.s32 @!p2 $0x0  }
0x1d: {  	s5 =	simm.s32 @p1 $0x1;
	p0 =	seq.s32 s7, s2  }
0x1e: {  	s7 =	smul.u32 @!p0 $0xF7A, s2;
	p2 =	seq.s32 @!p0 s5, $0x0  }
0x1f: {  	s9 =	smul.u32 $0xF7A, s1;
	s8 =	simm.s32 @!p0 $0x1BF5;
	p2 =	por !p2, p0  }
0x20: {  	[sflag:s8] =	ssyncset.s32 @!p0 $0xFFFFF086;
	s6 =	sadd.s32 @!p0 s3, s7;
	s7 =	simm.s32 @!p0 $0x108  }
0x21: {  	s3 =	sadd.s32 s3, s9;
	s6 =	sadd.s32 @!p0 $0x88, s6;
	s7 =	simm.s32 @p2 $0x1082  }
0x22: {  	[simem:s7], [sflag:s8] =	dma.local @!p0 [hbm:s6], $0xF7A  }
0x23: {  	s9 =	sor.u32 $0xD0000000, s2;
	s6 =	simm.s32 $0x108;
	_ =	swait.ge @!p0 [sflag:s8], $0x0  }
0x24: {  	s3 =	sadd.s32 $0x88, s3;
	s6 =	simm.s32 @!p1 $0x1082;
	[sflag:s4] =	ssyncset.s32 $0xFFFFF086  }
0x25: {  	[simem:s6], [sflag:s4] =	dma.local [hbm:s3], $0xF7A  }
0x26: {  	[smem:$0x3F98] =	sst s1;
	(tag) =	ssettag s2;
	_ =	strace s9  }
0x27: {  	s1 =	sld [smem:$0x3FA8]  }
0x28: {  	s2 =	sld [smem:$0x3FA9]  }
0x29: {  	s4 =	sld [smem:$0x3FAB]  }
0x2a: {  	p0 =	seq.s32 s5, $0x0;
	s5 =	sld [smem:$0x3FAC]  }
0x2b: {  	s6 =	sld [smem:$0x3FAD]  }
0x2c: {  	s7 =	sld [smem:$0x3FAE]  }
0x2d: {  	s3 =	simm.s32 $0x108;
	s8 =	sld [smem:$0x3FAF]  }
0x2e: {  	s3 =	simm.s32 @!p0 $0x1082;
	s9 =	sld [smem:$0x3FB0]  }
0x2f: {  	lr =	sadd.s32 s0, s3;
	s0 =	sld [smem:$0x3FA7]  }
0x30: {  	s3 =	sld [smem:$0x3FAA]  }
0x31: {  	[smem:$0x3FB3] =	sst s10  }
0x32: {  	s10 =	sld [smem:$0x3FB1];
	_ =	sdelay $0x3  }
0x33: {  	p0 =	seq.s32 s10, $0x1;
	s10 =	sld [smem:$0x3FB3];
	_ =	sdelay $0x3  }
0x34: {  	[smem:$0x3FB3] =	sst s10  }
0x35: {  	s10 =	sld [smem:$0x3FB2];
	_ =	sdelay $0x3  }
0x36: {  	p1 =	seq.s32 s10, $0x1;
	s10 =	sld [smem:$0x3FB3];
	_ =	sdelay $0x3  }
0x37: {  	[smem:$0x3FB3] =	sst s10  }
0x38: {  	s10 =	sld [smem:$0x3FB4]  }
0x39: {  	_ = 	snop;
	(pc) =	sbr.ind lr, $3  }
0x3a: {  	_ = 	snop  }
0x3b: {  	_ = 	snop  }
0x3c: {  	p2 =	seq.s32 s10, $0x1;
	s10 =	sld [smem:$0x3FB3]  }
0x3d: {  	_ =	shalt  }
0x3e: {  	_ =	shalt  }
0x3f: {  	_ =	shalt  }
0x40: {  	_ =	shalt  }
0x41: {  	_ =	shalt  }
0x42: {  	_ =	shalt  }
0x43: {  	_ =	shalt  }
0x44: {  	_ =	shalt  }
0x45: {  	_ =	shalt  }
0x46: {  	_ =	shalt  }
0x47: {  	_ =	shalt  }
0x48: {  	_ =	shalt  }
0x49: {  	_ =	shalt  }
0x4a: {  	_ =	shalt  }
0x4b: {  	_ =	shalt  }
0x4c: {  	_ =	shalt  }
0x4d: {  	_ =	shalt  }
0x4e: {  	_ =	shalt  }
0x4f: {  	_ =	shalt  }
0x50: {  	_ =	shalt  }
0x51: {  	_ =	shalt  }
0x52: {  	_ =	shalt  }
0x53: {  	_ =	shalt  }
0x54: {  	_ =	shalt  }
0x55: {  	_ =	shalt  }
0x56: {  	_ =	shalt  }
0x57: {  	_ =	shalt  }
0x58: {  	_ =	shalt  }
0x59: {  	_ =	shalt  }
0x5a: {  	_ =	shalt  }
0x5b: {  	_ =	shalt  }
0x5c: {  	_ =	shalt  }
0x5d: {  	_ =	shalt  }
0x5e: {  	_ =	shalt  }
0x5f: {  	_ =	shalt  }
0x60: {  	_ =	shalt  }
0x61: {  	_ =	shalt  }
0x62: {  	_ =	shalt  }
0x63: {  	_ =	shalt  }
0x64: {  	_ =	shalt  }
0x65: {  	_ =	shalt  }
0x66: {  	_ =	shalt  }
0x67: {  	_ =	shalt  }
0x68: {  	_ =	shalt  }
0x69: {  	_ =	shalt  }
0x6a: {  	_ =	shalt  }
0x6b: {  	_ =	shalt  }
0x6c: {  	_ =	shalt  }
0x6d: {  	_ =	shalt  }
0x6e: {  	_ =	shalt  }
0x6f: {  	_ =	shalt  }
0x70: {  	_ =	shalt  }
0x71: {  	_ =	shalt  }
0x72: {  	_ =	shalt  }
0x73: {  	_ =	shalt  }
0x74: {  	_ =	shalt  }
0x75: {  	_ =	shalt  }
0x76: {  	_ =	shalt  }
0x77: {  	_ =	shalt  }
0x78: {  	_ =	shalt  }
0x79: {  	_ =	shalt  }
0x7a: {  	_ =	shalt  }
0x7b: {  	_ =	shalt  }
0x7c: {  	_ =	shalt  }
0x7d: {  	_ =	shalt  }
0x7e: {  	_ =	shalt  }
0x7f: {  	_ =	shalt  }
0x80: {  	_ =	shalt  }
0x81: {  	_ =	shalt  }
0x82: {  	_ =	shalt  }
0x83: {  	_ =	shalt  }
0x84: {  	_ =	shalt  }
0x85: {  	_ =	shalt  }
0x86: {  	_ =	shalt  }
0x87: {  	_ =	shalt  }
.Lfunc_end0:
.L_simem_size_0:
called_computation_lowered:
.L_overlay_start_0:
0x88: {  	s2 =	sld [smem:$0x3FD9]  }
0x89: {  	s3 =	sld [smem:$0x3FFE];
	_ =	sdelay $0x1  }
0x8a: {  	s1 =	srdreg.scid  }
0x8b: {  	s0 =	sand.u32 $0x1, s1  }
0x8c: {  	s16 =	sshll.u32 s0, $0xA;
	s2 =	sadd.s32 s3, s2  }
0x8d: {  	s2 =	sadd.s32 s2, s16  }
0x8e: {  	[smem:$0x3FBF] =	sst s2  }
0x8f: {  	_ = 	snop  }
0x90: {  	(tm) =	ssettm $0x1  }
0x91: {  	s17 =	sld [smem:$0x3FFB];
	_ =	sdelay $0x3  }
0x92: {  	_ =	strace s17  }
0x93: {  	s2 =	sld [smem:$0x3FFC];
	_ =	sdelay $0x3  }
0x94: {  	_ =	strace s2  }
0x95: {  	s2 =	sld [smem:$0x3FFD];
	_ =	sdelay $0x3  }
0x96: {  	_ =	strace s2  }
0x97: {  	_ =	strace $0x8FFFFFFF  }
0x98: {  	s18 =	sld [smem:$0x3FDB];
	_ =	sdelay $0x1  }
0x99: {  	s19 =	simm.s32 $_scs_section_size  }
0x9a: {  	s4 =	simm.s32 $_size__tile_overlayer_lowered;
	s5 =	simm.s32 $_tile_overlayer_lowered  }
0x9b: {  	s22 =	simm.s32 $0x1BFF;
	s21 =	sshll.u32 s5, $0x1;
	s2 =	sadd.s32 s19, s18  }
0x9c: {  	s6 =	simm.s32 $0x0;
	s20 =	sshll.u32 s4, $0x1;
	s4 =	sadd.s32 s21, s2  }
0x9d: {  	[timem:s6], [sflag:s22] =	dma.local [hbm:s4], s20  }
0x9e: {  	_ =	swait.ge [sflag:s22], s20  }
0x9f: {  	s3 =	ssub.s32 $0x0, s20;
	[sflag:s22] =	ssyncset.done $0x0  }
0xa0: {  	[sflag:s22] =	ssyncadd.s32 s3;
	_ =	sdelay $0x1  }
0xa1: {  	s23 =	simm.s32 $0x1B8B  }
0xa2: {  	_ =	swait.ge [sflag:s23], $0x1  }
0xa3: {  	[sflag:s23] =	ssyncset.done $0x0  }
0xa4: {  	s25 =	simm.s32 $0x1B8E;
	s24 =	sld [smem:$0x3FFE];
	[sflag:s23] =	ssyncadd.s32 $0xFFFFFFFF  }
0xa5: {  	s26 =	simm.s32 $execute0_lowered;
	[smem:$0x3FD2] =	sst s25  }
0xa6: {  	s4 =	sshll.u32 s26, $0x1;
	_ =	strace $0x80000046;
	[dreg:$0x1] =	wrdreg $0xFFFFFFFF  }
0xa7: {  	s28 =	simm.s32 $_size_execute0_lowered;
	s2 =	sadd.s32 s2, s4;
	[dreg:$0x0] =	wrdreg $0x0  }
0xa8: {  	s4 =	sshll.u32 s28, $0x1;
	[dreg:$0x2] =	wrdreg s2  }
0xa9: {  	[dreg:$0x3] =	wrdreg s4  }
0xaa: {  	[dreg:$0x4] =	wrdreg $0xC0  }
0xab: {  	_ =	task [dreg:s6], $0x5FFFF  }
0xac: {  	[dreg:$0x1] =	wrdreg $0xFFFFFFFF  }
0xad: {  	[dreg:$0x0] =	wrdreg $0x60  }
0xae: {  	[dreg:$0x2] =	wrdreg s24  }
0xaf: {  	[dreg:$0x3] =	wrdreg $0x13A600  }
0xb0: {  	[dreg:$0x4] =	wrdreg $0x9  }
0xb1: {  	_ =	task.clear_ibuf [dreg:s6], $0x5FFFF;
	_ =	strace $0x90000046  }
0xb2: {  	s29 =	simm.s32 $0x9;
	_ =	strace $0x80000048  }
0xb3: {  	_ =	swait.ge [sflag:s29], $0x1  }
0xb4: {  	[sflag:s29] =	ssyncadd.s32 $0xFFFFFFFF  }
0xb5: {  	_ =	strace $0x90000048  }
0xb6: {  	_ =	sfence  }
0xb7: {  	s30 =	sld [smem:$0x0];
	_ =	sdelay $0x2  }
0xb8: {  	s31 =	sshll.u32 s1, $0xD;
	s1 =	sshrl.u32 s1, $0x2  }
0xb9: {  	s3 =	sand.u32 $0x4000, s31;
	s1 =	sadd.s32 s1, s30  }
0xba: {  	s0 =	sor.u32 s3, s0;
	s1 =	sshll.u32 s1, $0x11  }
0xbb: {  	s0 =	sor.u32 s1, s0  }
0xbc: {  	s0 =	sadd.s32 $0x8F2B, s0  }
0xbd: {  	[sflag:s0] =	ssyncadd.remote.s32 $0x1  }
0xbe: {  	_ =	sfence.sel $0xFFFF  }
0xbf: {  	[dreg:$0x0] =	wrdreg $0xFFFFFFFF;
	(pc) =	sbr.abs _section_cstart, $3  }
0xc0: {  	[dreg:$0x1] =	wrdreg $0xFFFFFFFF  }
0xc1: {  	_ =	task.clear_ibuf [dreg:s6], $0x2FFFF;
	_ =	strace $0x9FFFFFFF  }
0xc2: {  	(tm) =	ssettm $0x7FFFFFFF  }
0xc3: {  	_ =	shalt  }
tec
execute0_lowered:
.L_overlay_start_1:
0x0: {  	(tag) =	ssettag $0x1  }
0x1: {  	s0 =	srdreg.scid  }
0x2: {  	s14 =	stileid.u32;
	s1 =	rddreg [dreg:$0x0]  }
0x3: {  	s2 =	rddreg [dreg:$0x1];
	s11 =	simm.s32 $0x3;
	s12 =	simm.s32 $0xFA  }
0x4: {  	s18 =	simm.s32 $0x1;
	s19 =	simm.s32 $0x2;
	s20 =	simm.s32 $0x10  }
0x5: {  	s21 =	simm.s32 $0xA;
	s23 =	simm.s32 $0x0;
	s0 =	sand.u32 $0x1, s0  }
0x6: {  	s3 =	sshll.u32 s14, $0x1;
	s6 =	smul.u32 $0x13880, s14;
	s26 =	sadd.s32 $0x2EE00, s1  }
0x7: {  	s28 =	smul.u32 $0x30D40, s14;
	s31 =	sshll.u32 s14, $0x6;
	s4 =	sor.u32 s0, s3  }
0x8: {  	s3 =	simm.s32 $0x0;
	s7 =	sshll.u32 s0, $0x6;
	s9 =	sshll.u32 s0, $0x4  }
0x9: {  	s0 =	ssub.s32 $0x2, s0;
	s16 =	sor.u32 $0x1C03, s31;
	s4 =	smul.u32 $0x2800, s4  }
0xa: {  	[smem:$0x7FF] =	sst s3;
	s7 =	sor.u32 s7, s6;
	s6 =	sor.u32 s9, s6  }
0xb: {  	s29 =	sshrl.u32 s0, $0x1;
	s9 =	sshrl.u32 s28, $0x2;
	_ =	strace $0x80000047  }
0xc: {  	[dreg:$0x3] =	wrdreg s26;
	s7 =	sshrl.u32 s7, $0x3;
	s6 =	sshrl.u32 s6, $0x3  }
0xd: {  	s0 =	ssub.s32 s0, s29;
	s13 =	sadd.s32 s9, s2;
	s5 =	sshrl.u32 s4, $0x3  }
0xe: {  	s4 =	sadd.s32 $0x2600, s1;
	s10 =	sadd.s32 s7, s1;
	s30 =	sadd.s32 $0x40, s13  }
0xf: {  	s17 =	sshrl.u32 s13, $0x3;
	s8 =	sadd.s32 s5, s1;
	s1 =	sadd.s32 s6, s1  }
0x10: {  	s22 =	sshrl.u32 s30, $0x3;
	s6 =	sadd.s32 $0x1AE00, s8;
	s7 =	sadd.s32 $0x24E00, s8  }
0x11: {  	s8 =	sadd.s32 $0x30800, s10;
	s9 =	sadd.s32 $0x57A00, s1;
	s10 =	smax.u32 s0, $0x1  }
.LBB2_1:
0x12: {  	[tilespmem:s3], [sflag:$0x3] =	stream.linear.gather [hbm4b:s6+s3], $0x2800, $0x38;
	[tilespmem:$0x1FDB0] =	vst v63  }
0x13: {  	_ =	swait.ge [sflag:s11], $0x2800  }
0x14: {  	[sflag:s11] =	ssyncset.done $0x0  }
0x15: {  	s24 =	simm.s32 $0x2800;
	s0 =	simm.s32 $0x5000;
	[sflag:s11] =	ssyncadd.s32 $0xFFFFD800  }
0x16: {  	[tilespmem:s24], [sflag:$0x3] =	stream.linear.gather [hbm4b:s7+s3], $0x2800, $0x38;
	[tilespmem:$0x1FDB0] =	vst v63  }
0x17: {  	s15 =	simm.s32 $0x100;
	s1 =	simm.s32 $0x9E20;
	_ =	swait.ge [sflag:s11], $0x2800  }
0x18: {  	p0 =	por $0x0, $0x0;
	s26 =	smul.u32 $0xAB, s3;
	[sflag:s11] =	ssyncset.done $0x0  }
0x19: {  	s29 =	simm.s32 $0x200;
	s30 =	simm.s32 $0x2;
	[sflag:s11] =	ssyncadd.s32 $0xFFFFD800  }
0x1a: {  	[tilespmem:s0], [sflag:$0x1] =	stream.indirect.gather [hbm4b:s4+s12], $0x50, s3, s12, $0xb8;
	[tilespmem:$0x1FDB0] =	vst v63  }
0x1b: {  	s28 =	simm.s32 $0x300;
	p2 =	por $0x0, $0x0;
	s0 =	simm.s32 $0x2  }
0x1c: {  	s25 =	rddreg [dreg:$0x3];
	s0 =	smul.u32 @!p0 $0xAB, s0;
	p0 =	por p0, p0  }
0x1d: {  	[tilespmem:s1], [sflag:$0x1] =	stream.indirect.gather [hbm4b:s4+s12], $0x50, s15, s12, $0xb8;
	[tilespmem:$0x1FDB0] =	vst v63  }
0x1e: {  	[spmem:s17], [sflag:s16] =	dma.local [hbm:s25], $0x186A  }
0x1f: {  	s31 =	simm.s32 $0x3;
	s1 =	sshrl.u32 s26, $0x9;
	s0 =	sshrl.u32 @!p0 s0, $0x9  }
0x20: {  	s26 =	simm.s32 $0x1;
	p1 =	por @!p0 $0x1, $0x1;
	s0 =	sand.u32 @!p0 $0x7F, s0  }
0x21: {  	s1 =	sand.u32 $0x7F, s1;
	_ =	swait.ge [sflag:s11], $0x186A;
	s0 =	smul.u32 @!p0 $0x3, s0  }
0x22: {  	p1 =	por p1, p0;
	s1 =	smul.u32 $0x3, s1;
	[sflag:s11] =	ssyncset.done $0x0  }
0x23: {  	s13 =	simm.s32 @!p1 $0x2;
	[sflag:s11] =	ssyncadd.s32 $0xFFFFE796;
	s0 =	ssub.s32 @!p0 $0x2, s0  }
0x24: {  	s1 =	ssub.s32 $0x0, s1;
	[bflag:$0x0] =	sbarrier.arrive $0xFFFF;
	s0 =	sand.u32 @!p0 $0xFF, s0  }
0x25: {  	s1 =	sand.u32 $0xFF, s1;
	_ =	swait.ge @!p1 [sflag:s13], $0x4E20;
	s0 =	smul.u32 @!p0 $0x13880, s0  }
0x26: {  	s14 =	simm.s32 @!p0 $0xFA;
	s1 =	smul.u32 $0x13880, s1;
	[sflag:s13] =	ssyncset.done @!p1 $0x0  }
0x27: {  	s25 =	simm.s32 $0x2900;
	[sflag:s13] =	ssyncadd.s32 @!p1 $0xFFFFB1E0;
	s0 =	sshrl.u32 @!p0 s0, $0x2  }
0x28: {  	s1 =	sshrl.u32 s1, $0x2;
	s13 =	sadd.s32 @!p0 $0x5000, s0;
	s0 =	smul.u32 @!p2 $0xAB, s31  }
.LBB2_2:
0x29: {  	[tilespmem:s13], [sflag:$0x1] =	stream.indirect.gather @!p0 [hbm4b:s4+s14], $0x50, s29, s14, $0xb8;
	[tilespmem:$0x1FDB0] =	vst v63  }
0x2a: {  	s13 =	smov.u32 s30  }
0x2b: {  	s29 =	smov.u32 s28;
	s14 =	smov.u32 s24;
	p0 =	por p2, p2  }
0x2c: {  	s1 =	sadd.s32 $0x5000, s1;
	s0 =	sshrl.u32 @!p0 s0, $0x9;
	_ =	swait.ge [sflag:s18], $0x4E20  }
0x2d: {  	s24 =	smul.u32 $0xAB, s26;
	s0 =	sand.u32 @!p0 $0x7F, s0;
	[sflag:s18] =	ssyncset.done $0x0  }
0x2e: {  	s30 =	sadd.s32 $0x1, s30;
	s0 =	smul.u32 @!p0 $0x3, s0;
	[sflag:s18] =	ssyncadd.s32 $0xFFFFB1E0  }
0x2f: {  	p1 =	sne.s32 s30, $0x28;
	s15 =	sshrl.u32 s24, $0x9;
	s24 =	smov.u32 s25  }
0x30: {  	p2 =	seq.s32 @!p0 s26, $0x0;
	s15 =	sand.u32 $0x7F, s15;
	s0 =	ssub.s32 @!p0 s31, s0  }
0x31: {  	p3 =	por p2, p0;
	s15 =	smul.u32 $0x3, s15;
	s0 =	sand.u32 @!p0 $0xFF, s0  }
0x32: {  	s5 =	simm.s32 @!p3 $0x2;
	s0 =	smul.u32 @!p0 $0x13880, s0  }
0x33: {  	s15 =	ssub.s32 s26, s15;
	s26 =	smov.u32 s13  }
0x34: {  	s13 =	sand.u32 $0xFF, s15;
	s0 =	sshrl.u32 @!p0 s0, $0x2  }
0x35: {  	[spmem:s2] =	stream.indirect.scatter.add.f32 [tilespmem:s1], [sflag:$0x2], $0x50, s14, s12, $0xb8;
	[tilespmem:$0x1FDB0] =	vst v63  }
.Ltmp0:
0x36: {  	_ = 	snop;
	(pc) =	sbr.rel @p1 .LBB2_2-.Ltmp0, $4  }
0x37: {  	s28 =	sadd.s32 $0x100, s28;
	s1 =	smul.u32 $0x13880, s13;
	_ =	swait.ge @!p3 [sflag:s5], $0x4E20  }
0x38: {  	s25 =	sadd.s32 $0x100, s25;
	p2 =	sgt.u32 s26, $0x25;
	[sflag:s5] =	ssyncset.done @!p3 $0x0  }
0x39: {  	s31 =	sadd.s32 $0x2, s26;
	s13 =	sadd.s32 @!p0 $0x5000, s0;
	[sflag:s5] =	ssyncadd.s32 @!p3 $0xFFFFB1E0  }
0x3a: {  	s0 =	smul.u32 @!p2 $0xAB, s31;
	s14 =	simm.s32 @!p0 $0xFA;
	s1 =	sshrl.u32 s1, $0x2  }
0x3b: {  	[tilespmem:s13], [sflag:$0x1] =	stream.indirect.gather @!p0 [hbm4b:s4+s14], $0x50, s29, s14, $0xb8;
	[tilespmem:$0x1FDB0] =	vst v63  }
0x3c: {  	p0 =	por p2, p2;
	s5 =	smul.u32 $0xAB, s26  }
0x3d: {  	s1 =	sadd.s32 $0x5000, s1;
	s0 =	sshrl.u32 @!p0 s0, $0x9;
	_ =	swait.ge [sflag:s18], $0x4E20  }
0x3e: {  	p1 =	seq.s32 @!p0 s26, $0x0;
	s0 =	sand.u32 @!p0 $0x7F, s0;
	[sflag:s18] =	ssyncset.done $0x0  }
0x3f: {  	s5 =	sshrl.u32 s5, $0x9;
	s0 =	smul.u32 @!p0 $0x3, s0;
	[sflag:s18] =	ssyncadd.s32 $0xFFFFB1E0  }
0x40: {  	[spmem:s2] =	stream.indirect.scatter.add.f32 [tilespmem:s1], [sflag:$0x2], $0x50, s24, s12, $0xb8;
	[tilespmem:$0x1FDB0] =	vst v63  }
0x41: {  	p1 =	por p1, p0;
	s5 =	sand.u32 $0x7F, s5;
	s0 =	ssub.s32 @!p0 s31, s0  }
0x42: {  	s13 =	simm.s32 @!p1 $0x2;
	s5 =	smul.u32 $0x3, s5;
	s0 =	sand.u32 @!p0 $0xFF, s0  }
0x43: {  	_ =	swait.ge @!p1 [sflag:s13], $0x4E20;
	s0 =	smul.u32 @!p0 $0x13880, s0  }
0x44: {  	s5 =	ssub.s32 s26, s5;
	[sflag:s13] =	ssyncset.done @!p1 $0x0  }
0x45: {  	s30 =	sand.u32 $0xFF, s5;
	[sflag:s13] =	ssyncadd.s32 @!p1 $0xFFFFB1E0;
	s0 =	sshrl.u32 @!p0 s0, $0x2  }
0x46: {  	s5 =	simm.s32 @!p0 $0xFA;
	s1 =	smul.u32 $0x13880, s30;
	s0 =	sadd.s32 @!p0 $0x5000, s0  }
0x47: {  	[tilespmem:s0], [sflag:$0x1] =	stream.indirect.gather @!p0 [hbm4b:s4+s5], $0x50, s28, s5, $0xb8;
	[tilespmem:$0x1FDB0] =	vst v63  }
0x48: {  	_ =	swait.ge [sflag:s18], $0x4E20  }
0x49: {  	s31 =	sshrl.u32 s1, $0x2;
	[sflag:s18] =	ssyncset.done $0x0  }
0x4a: {  	s0 =	sadd.s32 $0x5000, s31;
	[sflag:s18] =	ssyncadd.s32 $0xFFFFB1E0  }
0x4b: {  	[spmem:s2] =	stream.indirect.scatter.add.f32 [tilespmem:s0], [sflag:$0x2], $0x50, s25, s12, $0xb8;
	[tilespmem:$0x1FDB0] =	vst v63  }
0x4c: {  	_ =	swait.ge [sflag:s19], $0x4E20  }
0x4d: {  	[sflag:s19] =	ssyncset.done $0x0  }
0x4e: {  	[sflag:s19] =	ssyncadd.s32 $0xFFFFB1E0  }
0x4f: {  	_ =	swait.ge [sflag:s19], $0x4E20  }
0x50: {  	[sflag:s19] =	ssyncset.done $0x0  }
0x51: {  	[sflag:s19] =	ssyncadd.s32 $0xFFFFB1E0  }
0x52: {  	_ =	swait.ge [sflag:s19], $0x4E20  }
0x53: {  	[sflag:s19] =	ssyncset.done $0x0  }
0x54: {  	[sflag:s19] =	ssyncadd.s32 $0xFFFFB1E0  }
0x55: {  	[bflag:$0x0] =	sbarrier.arrive $0xFFFF  }
0x56: {  	[hbm:s8@s20], [sflag:s16] =	dma.strided [spmem:s17@s21], $0x1388, s18, $0x8   }
0x57: {  	s23 =	sadd.s32 $0x1, s23;
	_ =	swait.ge [sflag:s11], $0x1388  }
0x58: {  	p0 =	sne.s32 s23, s10;
	[sflag:s11] =	ssyncset.done $0x0  }
.Ltmp1:
0x59: {  	[sflag:s11] =	ssyncadd.s32 $0xFFFFEC78;
	(pc) =	sbr.rel @p0 .LBB2_1-.Ltmp1, $4  }
0x5a: {  	[hbm:s9@s20], [sflag:s16] =	dma.strided [spmem:s22@s21], $0x4E2, s18, $0x2   }
0x5b: {  	_ =	swait.ge [sflag:s11], $0x4E2  }
0x5c: {  	[sflag:s11] =	ssyncset.done $0x0  }
0x5d: {  	[sflag:s11] =	ssyncadd.s32 $0xFFFFFB1E  }
0x5e: {  	_ =	sfence.sel $0x180000  }
0x5f: {  	[bflag:$0x0] =	sbarrier.arrive $0xFFFF  }
0x60: {  	_ =	strace $0x90000047  }
0x61: {  	s0 =	stileid.u32;
	[bflag:$0x2] =	sbarrier.arrive $0xFFFF  }
0x62: {  	p0 =	sne.s32 s0, $0x0;
	s0 =	rddreg [dreg:$0x2]  }
0x63: {  	s0 =	sadd.s32 @!p0 $0x100000, s0  }
0x64: {  	[sflag:s0] =	ssyncadd.tile.s32 @!p0 $0x1;
	_ =	shalt  }
.Lfunc_end2:
_tile_overlayer_lowered:
.L_overlay_start_2:
0x65: {  	(tag) =	ssettag $0x2  }
0x66: {  	s0 =	rddreg [dreg:$0x0];
	s2 =	stileid.u32  }
0x67: {  	s1 =	rddreg [dreg:$0x1];
	p0 =	sne.s32 s2, $0x0  }
0x68: {  	s3 =	rddreg [dreg:$0x2];
	[bflag:$0x3] =	sbarrier.arrive $0xFFFF;
	s2 =	simm.s32 @!p0 $0x1C03  }
0x69: {  	[timem:s3], [sflag:s2] =	dma.local @!p0 [hbm:s0], s1  }
0x6a: {  	s0 =	simm.s32 @!p0 $0x3  }
0x6b: {  	_ =	swait.ge @!p0 [sflag:s0], s1  }
0x6c: {  	s1 =	ssub.s32 @!p0 $0x0, s1;
	[sflag:s0] =	ssyncset.done @!p0 $0x0  }
0x6d: {  	[sflag:s0] =	ssyncadd.s32 @!p0 s1  }
0x6e: {  	[bflag:$0x3] =	sbarrier.arrive $0xFFFF  }
0x6f: {  	_ =	shalt  }

</sc_bundles>
